<compile_context>
chip_gen: v7x
topology: tpu7x:2x2x1
jax: 0.10.2.dev20260603
libtpu: 0.0.44.dev20260713+nightly
codegen_flags: <defaults>
</compile_context>

<pallas_src>
import functools

import jax
import jax.numpy as jnp
from jax import lax
from jax.experimental import pallas as pl
from jax.experimental.pallas import tpu as pltpu
from jax.experimental.pallas import tpu_sc as plsc

MAX_LEN = 8192
D_MODEL = 768
NUM_CORES = 2
NUM_TILES = 16
NUM_WORKERS = NUM_CORES * NUM_TILES
ROWS_PER_WORKER = MAX_LEN // NUM_WORKERS
CHUNK = 32
NUM_CHUNKS = ROWS_PER_WORKER // CHUNK
NBUF = 5

_mesh = plsc.VectorSubcoreMesh(core_axis_name="c", subcore_axis_name="s")


@functools.partial(
    pl.kernel,
    mesh=_mesh,
    out_type=jax.ShapeDtypeStruct((MAX_LEN, D_MODEL), jnp.float32),
    scratch_types=(
        [pltpu.VMEM((NUM_CHUNKS, CHUNK), jnp.int32)]
        + [pltpu.VMEM((CHUNK, D_MODEL), jnp.float32) for _ in range(NBUF)]
        + [pltpu.SemaphoreType.DMA for _ in range(2 * NBUF)]
    ),
)
def _gather_rows(emb_hbm, idx_hbm, out_hbm, idx_v, *scratch):
    bufs = scratch[:NBUF]
    gsems = scratch[NBUF:2 * NBUF]
    ssems = scratch[2 * NBUF:]
    wid = lax.axis_index("c") * NUM_TILES + lax.axis_index("s")
    base = wid * ROWS_PER_WORKER
    pltpu.sync_copy(idx_hbm.at[wid], idx_v)

    gathers = [None] * NUM_CHUNKS
    scatters = [None] * NUM_CHUNKS

    for c in range(min(NBUF, NUM_CHUNKS)):
        gathers[c] = pltpu.async_copy(
            emb_hbm.at[idx_v.at[c]], bufs[c], gsems[c])
    for c in range(NUM_CHUNKS):
        b = c % NBUF
        prev = c - 1 + NBUF
        if 0 <= c - 1 and prev < NUM_CHUNKS:
            scatters[c - 1].wait()
            gathers[prev] = pltpu.async_copy(
                emb_hbm.at[idx_v.at[prev]], bufs[(c - 1) % NBUF],
                gsems[(c - 1) % NBUF])
        gathers[c].wait()
        scatters[c] = pltpu.async_copy(
            bufs[b], out_hbm.at[pl.ds(base + c * CHUNK, CHUNK)], ssems[b])
    for c in range(max(0, NUM_CHUNKS - NBUF), NUM_CHUNKS):
        scatters[c].wait()


def kernel(emb, n):
    n = jnp.asarray(n, jnp.int32)
    idx = jnp.minimum(jnp.arange(MAX_LEN, dtype=jnp.int32), n - 1)
    idx = idx.reshape(NUM_WORKERS, NUM_CHUNKS, CHUNK)
    return _gather_rows(emb, idx)

# --- scband reference (transcript-rebuilt; emitter-appended) ---
"""Pipeline reference for scband-positional-embedding-14328010899541 (READ-ONLY COPY).

The authoritative reference and input builder live on the scoring server;
editing this copy changes nothing except your own understanding.
"""

import jax, jax.numpy as jnp
import numpy as np

MAX_LEN = 8192
D_MODEL = 768

def setup_inputs(seed: int = 0) -> dict:
    key = jax.random.key(seed)
    emb = jax.random.normal(key, (MAX_LEN, D_MODEL), dtype=jnp.float32)
    n = 8192
    return {"emb": emb, "n": n}

def reference(emb, n):
    # PositionalEmbedding.forward: self.emb(self.idx[:n])
    idx = jnp.minimum(jnp.arange(MAX_LEN), n - 1)
    return jnp.take(emb, idx, axis=0)

if __name__ == "__main__":
    import jax
    _d = setup_inputs()
    print(jax.jit(kernel)(*tuple(_d.values())))

</pallas_src>

<mosaic_0001>
#map = affine_map<(d0, d1) -> (0, 0)>
#map1 = affine_map<(d0, d1) -> (0, 0, 0)>
module attributes {stable_mosaic.version = 14 : i64} {
  func.func @_gather_rows(%arg0: i32, %arg1: i32, %arg2: memref<8192x768xf32, #tpu.memory_space<hbm>>, %arg3: memref<32x8x32xi32, #tpu.memory_space<hbm>>, %arg4: memref<8192x768xf32, #tpu.memory_space<hbm>>, %arg5: memref<8x32xi32, #tpu.memory_space<vmem>>, %arg6: memref<32x768xf32, #tpu.memory_space<vmem>>, %arg7: memref<32x768xf32, #tpu.memory_space<vmem>>, %arg8: memref<32x768xf32, #tpu.memory_space<vmem>>, %arg9: memref<32x768xf32, #tpu.memory_space<vmem>>, %arg10: memref<32x768xf32, #tpu.memory_space<vmem>>, %arg11: memref<!tpu.dma_semaphore, #tpu.memory_space<semaphore_mem>>, %arg12: memref<!tpu.dma_semaphore, #tpu.memory_space<semaphore_mem>>, %arg13: memref<!tpu.dma_semaphore, #tpu.memory_space<semaphore_mem>>, %arg14: memref<!tpu.dma_semaphore, #tpu.memory_space<semaphore_mem>>, %arg15: memref<!tpu.dma_semaphore, #tpu.memory_space<semaphore_mem>>, %arg16: memref<!tpu.dma_semaphore, #tpu.memory_space<semaphore_mem>>, %arg17: memref<!tpu.dma_semaphore, #tpu.memory_space<semaphore_mem>>, %arg18: memref<!tpu.dma_semaphore, #tpu.memory_space<semaphore_mem>>, %arg19: memref<!tpu.dma_semaphore, #tpu.memory_space<semaphore_mem>>, %arg20: memref<!tpu.dma_semaphore, #tpu.memory_space<semaphore_mem>>) attributes {dimension_semantics = [#tpu.dimension_semantics<core_parallel>, #tpu.dimension_semantics<subcore_parallel>], iteration_bounds = array<i64: 2, 16>, scalar_prefetch = 0 : i64, scratch_operands = 16 : i64, tpu.core_type = #tpu.core_type<sc_vector_subcore>, window_params = [{transform_indices = #map}, {transform_indices = #map1}, {transform_indices = #map}]} {
    %mul3A = arith.constant 16 : i32
    %mul3A_0 = arith.muli %arg0, %mul3A : i32
    %add3A = arith.addi %mul3A_0, %arg1 : i32
    %mul3A_1 = arith.constant 256 : i32
    %mul3A_2 = arith.muli %add3A, %mul3A_1 : i32
    "tpu.region"() ({
      %run_scoped3A = tpu.sem_alloc : memref<!tpu.dma_semaphore, #tpu.memory_space<semaphore_mem>>
      %dma_start3A_193 = arith.constant 0 : i32
      %dma_start3A_194 = arith.constant 0 : i32
      %dma_start3A_195 = tpu.memref_slice %arg3[%add3A, %dma_start3A_193, %dma_start3A_194] : memref<32x8x32xi32, #tpu.memory_space<hbm>> -> memref<1x8x32xi32, #tpu.memory_space<hbm>>
      %dma_start3A_196 = tpu.memref_squeeze %dma_start3A_195 : memref<1x8x32xi32, #tpu.memory_space<hbm>> -> memref<8x32xi32, #tpu.memory_space<hbm>>
      %dma_start3A_197 = arith.constant 0 : i32
      %dma_start3A_198 = arith.constant 0 : i32
      %dma_start3A_199 = tpu.memref_slice %arg3[%add3A, %dma_start3A_197, %dma_start3A_198] : memref<32x8x32xi32, #tpu.memory_space<hbm>> -> memref<1x8x32xi32, #tpu.memory_space<hbm>>
      %dma_start3A_200 = tpu.memref_squeeze %dma_start3A_199 : memref<1x8x32xi32, #tpu.memory_space<hbm>> -> memref<8x32xi32, #tpu.memory_space<hbm>>
      tpu.enqueue_dma source(%dma_start3A_200 : memref<8x32xi32, #tpu.memory_space<hbm>>) target(%arg5 : memref<8x32xi32, #tpu.memory_space<vmem>>) target_semaphore(%run_scoped3A : memref<!tpu.dma_semaphore, #tpu.memory_space<semaphore_mem>>)
      %dma_wait3A_201 = arith.constant 0 : i32
      %dma_wait3A_202 = arith.constant 0 : i32
      %dma_wait3A_203 = tpu.memref_slice %arg3[%add3A, %dma_wait3A_201, %dma_wait3A_202] : memref<32x8x32xi32, #tpu.memory_space<hbm>> -> memref<1x8x32xi32, #tpu.memory_space<hbm>>
      %dma_wait3A_204 = tpu.memref_squeeze %dma_wait3A_203 : memref<1x8x32xi32, #tpu.memory_space<hbm>> -> memref<8x32xi32, #tpu.memory_space<hbm>>
      %dma_wait3A_205 = arith.constant 0 : i32
      %dma_wait3A_206 = arith.constant 0 : i32
      %dma_wait3A_207 = tpu.memref_slice %arg3[%add3A, %dma_wait3A_205, %dma_wait3A_206] : memref<32x8x32xi32, #tpu.memory_space<hbm>> -> memref<1x8x32xi32, #tpu.memory_space<hbm>>
      %dma_wait3A_208 = tpu.memref_squeeze %dma_wait3A_207 : memref<1x8x32xi32, #tpu.memory_space<hbm>> -> memref<8x32xi32, #tpu.memory_space<hbm>>
      tpu.wait_dma2 semaphore(%run_scoped3A : memref<!tpu.dma_semaphore, #tpu.memory_space<semaphore_mem>>) src(%dma_wait3A_208 : memref<8x32xi32, #tpu.memory_space<hbm>>) dst(%arg5 : memref<8x32xi32, #tpu.memory_space<vmem>>)
      tpu.yield
    }) : () -> ()
    %dma_start3A = arith.constant 0 : i32
    %dma_start3A_3 = arith.constant 0 : i32
    %dma_start3A_4 = tpu.memref_slice %arg5[%dma_start3A, %dma_start3A_3] : memref<8x32xi32, #tpu.memory_space<vmem>> -> memref<1x32xi32, #tpu.memory_space<vmem>>
    %dma_start3A_5 = tpu.memref_squeeze %dma_start3A_4 : memref<1x32xi32, #tpu.memory_space<vmem>> -> memref<32xi32, #tpu.memory_space<vmem>>
    %dma_start3A_6 = arith.constant 0 : i32
    %dma_start3A_7 = arith.constant 0 : i32
    %dma_start3A_8 = tpu.memref_slice %arg2[%dma_start3A_6, %dma_start3A_7] : memref<8192x768xf32, #tpu.memory_space<hbm>> -> memref<8192x768xf32, #tpu.memory_space<hbm>>
    tpu.enqueue_indirect_dma source(%dma_start3A_8 : memref<8192x768xf32, #tpu.memory_space<hbm>>) target(%arg6 : memref<32x768xf32, #tpu.memory_space<vmem>>) offsets(%dma_start3A_5 : memref<32xi32, #tpu.memory_space<vmem>>) semaphore(%arg11 : memref<!tpu.dma_semaphore, #tpu.memory_space<semaphore_mem>>)
    %dma_start3A_9 = arith.constant 1 : i32
    %dma_start3A_10 = arith.constant 0 : i32
    %dma_start3A_11 = tpu.memref_slice %arg5[%dma_start3A_9, %dma_start3A_10] : memref<8x32xi32, #tpu.memory_space<vmem>> -> memref<1x32xi32, #tpu.memory_space<vmem>>
    %dma_start3A_12 = tpu.memref_squeeze %dma_start3A_11 : memref<1x32xi32, #tpu.memory_space<vmem>> -> memref<32xi32, #tpu.memory_space<vmem>>
    %dma_start3A_13 = arith.constant 0 : i32
    %dma_start3A_14 = arith.constant 0 : i32
    %dma_start3A_15 = tpu.memref_slice %arg2[%dma_start3A_13, %dma_start3A_14] : memref<8192x768xf32, #tpu.memory_space<hbm>> -> memref<8192x768xf32, #tpu.memory_space<hbm>>
    tpu.enqueue_indirect_dma source(%dma_start3A_15 : memref<8192x768xf32, #tpu.memory_space<hbm>>) target(%arg7 : memref<32x768xf32, #tpu.memory_space<vmem>>) offsets(%dma_start3A_12 : memref<32xi32, #tpu.memory_space<vmem>>) semaphore(%arg12 : memref<!tpu.dma_semaphore, #tpu.memory_space<semaphore_mem>>)
    %dma_start3A_16 = arith.constant 2 : i32
    %dma_start3A_17 = arith.constant 0 : i32
    %dma_start3A_18 = tpu.memref_slice %arg5[%dma_start3A_16, %dma_start3A_17] : memref<8x32xi32, #tpu.memory_space<vmem>> -> memref<1x32xi32, #tpu.memory_space<vmem>>
    %dma_start3A_19 = tpu.memref_squeeze %dma_start3A_18 : memref<1x32xi32, #tpu.memory_space<vmem>> -> memref<32xi32, #tpu.memory_space<vmem>>
    %dma_start3A_20 = arith.constant 0 : i32
    %dma_start3A_21 = arith.constant 0 : i32
    %dma_start3A_22 = tpu.memref_slice %arg2[%dma_start3A_20, %dma_start3A_21] : memref<8192x768xf32, #tpu.memory_space<hbm>> -> memref<8192x768xf32, #tpu.memory_space<hbm>>
    tpu.enqueue_indirect_dma source(%dma_start3A_22 : memref<8192x768xf32, #tpu.memory_space<hbm>>) target(%arg8 : memref<32x768xf32, #tpu.memory_space<vmem>>) offsets(%dma_start3A_19 : memref<32xi32, #tpu.memory_space<vmem>>) semaphore(%arg13 : memref<!tpu.dma_semaphore, #tpu.memory_space<semaphore_mem>>)
    %dma_start3A_23 = arith.constant 3 : i32
    %dma_start3A_24 = arith.constant 0 : i32
    %dma_start3A_25 = tpu.memref_slice %arg5[%dma_start3A_23, %dma_start3A_24] : memref<8x32xi32, #tpu.memory_space<vmem>> -> memref<1x32xi32, #tpu.memory_space<vmem>>
    %dma_start3A_26 = tpu.memref_squeeze %dma_start3A_25 : memref<1x32xi32, #tpu.memory_space<vmem>> -> memref<32xi32, #tpu.memory_space<vmem>>
    %dma_start3A_27 = arith.constant 0 : i32
    %dma_start3A_28 = arith.constant 0 : i32
    %dma_start3A_29 = tpu.memref_slice %arg2[%dma_start3A_27, %dma_start3A_28] : memref<8192x768xf32, #tpu.memory_space<hbm>> -> memref<8192x768xf32, #tpu.memory_space<hbm>>
    tpu.enqueue_indirect_dma source(%dma_start3A_29 : memref<8192x768xf32, #tpu.memory_space<hbm>>) target(%arg9 : memref<32x768xf32, #tpu.memory_space<vmem>>) offsets(%dma_start3A_26 : memref<32xi32, #tpu.memory_space<vmem>>) semaphore(%arg14 : memref<!tpu.dma_semaphore, #tpu.memory_space<semaphore_mem>>)
    %dma_start3A_30 = arith.constant 4 : i32
    %dma_start3A_31 = arith.constant 0 : i32
    %dma_start3A_32 = tpu.memref_slice %arg5[%dma_start3A_30, %dma_start3A_31] : memref<8x32xi32, #tpu.memory_space<vmem>> -> memref<1x32xi32, #tpu.memory_space<vmem>>
    %dma_start3A_33 = tpu.memref_squeeze %dma_start3A_32 : memref<1x32xi32, #tpu.memory_space<vmem>> -> memref<32xi32, #tpu.memory_space<vmem>>
    %dma_start3A_34 = arith.constant 0 : i32
    %dma_start3A_35 = arith.constant 0 : i32
    %dma_start3A_36 = tpu.memref_slice %arg2[%dma_start3A_34, %dma_start3A_35] : memref<8192x768xf32, #tpu.memory_space<hbm>> -> memref<8192x768xf32, #tpu.memory_space<hbm>>
    tpu.enqueue_indirect_dma source(%dma_start3A_36 : memref<8192x768xf32, #tpu.memory_space<hbm>>) target(%arg10 : memref<32x768xf32, #tpu.memory_space<vmem>>) offsets(%dma_start3A_33 : memref<32xi32, #tpu.memory_space<vmem>>) semaphore(%arg15 : memref<!tpu.dma_semaphore, #tpu.memory_space<semaphore_mem>>)
    %dma_wait3A = arith.constant 0 : i32
    %dma_wait3A_37 = arith.constant 0 : i32
    %dma_wait3A_38 = tpu.memref_slice %arg5[%dma_wait3A, %dma_wait3A_37] : memref<8x32xi32, #tpu.memory_space<vmem>> -> memref<1x32xi32, #tpu.memory_space<vmem>>
    %dma_wait3A_39 = tpu.memref_squeeze %dma_wait3A_38 : memref<1x32xi32, #tpu.memory_space<vmem>> -> memref<32xi32, #tpu.memory_space<vmem>>
    %dma_wait3A_40 = arith.constant 0 : i32
    %dma_wait3A_41 = arith.constant 0 : i32
    %dma_wait3A_42 = tpu.memref_slice %arg2[%dma_wait3A_40, %dma_wait3A_41] : memref<8192x768xf32, #tpu.memory_space<hbm>> -> memref<8192x768xf32, #tpu.memory_space<hbm>>
    tpu.wait_indirect_dma semaphore(%arg11 : memref<!tpu.dma_semaphore, #tpu.memory_space<semaphore_mem>>) src(%dma_wait3A_42 : memref<8192x768xf32, #tpu.memory_space<hbm>>) dst(%arg6 : memref<32x768xf32, #tpu.memory_space<vmem>>)
    %add3A_43 = arith.constant 0 : i32
    %add3A_44 = arith.addi %mul3A_2, %add3A_43 : i32
    %dma_start3A_45 = arith.constant 0 : i32
    %dma_start3A_46 = tpu.memref_slice %arg4[%add3A_44, %dma_start3A_45] : memref<8192x768xf32, #tpu.memory_space<hbm>> -> memref<32x768xf32, #tpu.memory_space<hbm>>
    %dma_start3A_47 = arith.constant 0 : i32
    %dma_start3A_48 = tpu.memref_slice %arg4[%add3A_44, %dma_start3A_47] : memref<8192x768xf32, #tpu.memory_space<hbm>> -> memref<32x768xf32, #tpu.memory_space<hbm>>
    tpu.enqueue_dma source(%arg6 : memref<32x768xf32, #tpu.memory_space<vmem>>) target(%dma_start3A_48 : memref<32x768xf32, #tpu.memory_space<hbm>>) target_semaphore(%arg16 : memref<!tpu.dma_semaphore, #tpu.memory_space<semaphore_mem>>)
    %dma_wait3A_49 = arith.constant 0 : i32
    %dma_wait3A_50 = tpu.memref_slice %arg4[%add3A_44, %dma_wait3A_49] : memref<8192x768xf32, #tpu.memory_space<hbm>> -> memref<32x768xf32, #tpu.memory_space<hbm>>
    %dma_wait3A_51 = arith.constant 0 : i32
    %dma_wait3A_52 = tpu.memref_slice %arg4[%add3A_44, %dma_wait3A_51] : memref<8192x768xf32, #tpu.memory_space<hbm>> -> memref<32x768xf32, #tpu.memory_space<hbm>>
    tpu.wait_dma2 semaphore(%arg16 : memref<!tpu.dma_semaphore, #tpu.memory_space<semaphore_mem>>) src(%arg6 : memref<32x768xf32, #tpu.memory_space<vmem>>) dst(%dma_wait3A_52 : memref<32x768xf32, #tpu.memory_space<hbm>>)
    %dma_start3A_53 = arith.constant 5 : i32
    %dma_start3A_54 = arith.constant 0 : i32
    %dma_start3A_55 = tpu.memref_slice %arg5[%dma_start3A_53, %dma_start3A_54] : memref<8x32xi32, #tpu.memory_space<vmem>> -> memref<1x32xi32, #tpu.memory_space<vmem>>
    %dma_start3A_56 = tpu.memref_squeeze %dma_start3A_55 : memref<1x32xi32, #tpu.memory_space<vmem>> -> memref<32xi32, #tpu.memory_space<vmem>>
    %dma_start3A_57 = arith.constant 0 : i32
    %dma_start3A_58 = arith.constant 0 : i32
    %dma_start3A_59 = tpu.memref_slice %arg2[%dma_start3A_57, %dma_start3A_58] : memref<8192x768xf32, #tpu.memory_space<hbm>> -> memref<8192x768xf32, #tpu.memory_space<hbm>>
    tpu.enqueue_indirect_dma source(%dma_start3A_59 : memref<8192x768xf32, #tpu.memory_space<hbm>>) target(%arg6 : memref<32x768xf32, #tpu.memory_space<vmem>>) offsets(%dma_start3A_56 : memref<32xi32, #tpu.memory_space<vmem>>) semaphore(%arg11 : memref<!tpu.dma_semaphore, #tpu.memory_space<semaphore_mem>>)
    %dma_wait3A_60 = arith.constant 1 : i32
    %dma_wait3A_61 = arith.constant 0 : i32
    %dma_wait3A_62 = tpu.memref_slice %arg5[%dma_wait3A_60, %dma_wait3A_61] : memref<8x32xi32, #tpu.memory_space<vmem>> -> memref<1x32xi32, #tpu.memory_space<vmem>>
    %dma_wait3A_63 = tpu.memref_squeeze %dma_wait3A_62 : memref<1x32xi32, #tpu.memory_space<vmem>> -> memref<32xi32, #tpu.memory_space<vmem>>
    %dma_wait3A_64 = arith.constant 0 : i32
    %dma_wait3A_65 = arith.constant 0 : i32
    %dma_wait3A_66 = tpu.memref_slice %arg2[%dma_wait3A_64, %dma_wait3A_65] : memref<8192x768xf32, #tpu.memory_space<hbm>> -> memref<8192x768xf32, #tpu.memory_space<hbm>>
    tpu.wait_indirect_dma semaphore(%arg12 : memref<!tpu.dma_semaphore, #tpu.memory_space<semaphore_mem>>) src(%dma_wait3A_66 : memref<8192x768xf32, #tpu.memory_space<hbm>>) dst(%arg7 : memref<32x768xf32, #tpu.memory_space<vmem>>)
    %add3A_67 = arith.constant 32 : i32
    %add3A_68 = arith.addi %mul3A_2, %add3A_67 : i32
    %dma_start3A_69 = arith.constant 0 : i32
    %dma_start3A_70 = tpu.memref_slice %arg4[%add3A_68, %dma_start3A_69] : memref<8192x768xf32, #tpu.memory_space<hbm>> -> memref<32x768xf32, #tpu.memory_space<hbm>>
    %dma_start3A_71 = arith.constant 0 : i32
    %dma_start3A_72 = tpu.memref_slice %arg4[%add3A_68, %dma_start3A_71] : memref<8192x768xf32, #tpu.memory_space<hbm>> -> memref<32x768xf32, #tpu.memory_space<hbm>>
    tpu.enqueue_dma source(%arg7 : memref<32x768xf32, #tpu.memory_space<vmem>>) target(%dma_start3A_72 : memref<32x768xf32, #tpu.memory_space<hbm>>) target_semaphore(%arg17 : memref<!tpu.dma_semaphore, #tpu.memory_space<semaphore_mem>>)
    %dma_wait3A_73 = arith.constant 0 : i32
    %dma_wait3A_74 = tpu.memref_slice %arg4[%add3A_68, %dma_wait3A_73] : memref<8192x768xf32, #tpu.memory_space<hbm>> -> memref<32x768xf32, #tpu.memory_space<hbm>>
    %dma_wait3A_75 = arith.constant 0 : i32
    %dma_wait3A_76 = tpu.memref_slice %arg4[%add3A_68, %dma_wait3A_75] : memref<8192x768xf32, #tpu.memory_space<hbm>> -> memref<32x768xf32, #tpu.memory_space<hbm>>
    tpu.wait_dma2 semaphore(%arg17 : memref<!tpu.dma_semaphore, #tpu.memory_space<semaphore_mem>>) src(%arg7 : memref<32x768xf32, #tpu.memory_space<vmem>>) dst(%dma_wait3A_76 : memref<32x768xf32, #tpu.memory_space<hbm>>)
    %dma_start3A_77 = arith.constant 6 : i32
    %dma_start3A_78 = arith.constant 0 : i32
    %dma_start3A_79 = tpu.memref_slice %arg5[%dma_start3A_77, %dma_start3A_78] : memref<8x32xi32, #tpu.memory_space<vmem>> -> memref<1x32xi32, #tpu.memory_space<vmem>>
    %dma_start3A_80 = tpu.memref_squeeze %dma_start3A_79 : memref<1x32xi32, #tpu.memory_space<vmem>> -> memref<32xi32, #tpu.memory_space<vmem>>
    %dma_start3A_81 = arith.constant 0 : i32
    %dma_start3A_82 = arith.constant 0 : i32
    %dma_start3A_83 = tpu.memref_slice %arg2[%dma_start3A_81, %dma_start3A_82] : memref<8192x768xf32, #tpu.memory_space<hbm>> -> memref<8192x768xf32, #tpu.memory_space<hbm>>
    tpu.enqueue_indirect_dma source(%dma_start3A_83 : memref<8192x768xf32, #tpu.memory_space<hbm>>) target(%arg7 : memref<32x768xf32, #tpu.memory_space<vmem>>) offsets(%dma_start3A_80 : memref<32xi32, #tpu.memory_space<vmem>>) semaphore(%arg12 : memref<!tpu.dma_semaphore, #tpu.memory_space<semaphore_mem>>)
    %dma_wait3A_84 = arith.constant 2 : i32
    %dma_wait3A_85 = arith.constant 0 : i32
    %dma_wait3A_86 = tpu.memref_slice %arg5[%dma_wait3A_84, %dma_wait3A_85] : memref<8x32xi32, #tpu.memory_space<vmem>> -> memref<1x32xi32, #tpu.memory_space<vmem>>
    %dma_wait3A_87 = tpu.memref_squeeze %dma_wait3A_86 : memref<1x32xi32, #tpu.memory_space<vmem>> -> memref<32xi32, #tpu.memory_space<vmem>>
    %dma_wait3A_88 = arith.constant 0 : i32
    %dma_wait3A_89 = arith.constant 0 : i32
    %dma_wait3A_90 = tpu.memref_slice %arg2[%dma_wait3A_88, %dma_wait3A_89] : memref<8192x768xf32, #tpu.memory_space<hbm>> -> memref<8192x768xf32, #tpu.memory_space<hbm>>
    tpu.wait_indirect_dma semaphore(%arg13 : memref<!tpu.dma_semaphore, #tpu.memory_space<semaphore_mem>>) src(%dma_wait3A_90 : memref<8192x768xf32, #tpu.memory_space<hbm>>) dst(%arg8 : memref<32x768xf32, #tpu.memory_space<vmem>>)
    %add3A_91 = arith.constant 64 : i32
    %add3A_92 = arith.addi %mul3A_2, %add3A_91 : i32
    %dma_start3A_93 = arith.constant 0 : i32
    %dma_start3A_94 = tpu.memref_slice %arg4[%add3A_92, %dma_start3A_93] : memref<8192x768xf32, #tpu.memory_space<hbm>> -> memref<32x768xf32, #tpu.memory_space<hbm>>
    %dma_start3A_95 = arith.constant 0 : i32
    %dma_start3A_96 = tpu.memref_slice %arg4[%add3A_92, %dma_start3A_95] : memref<8192x768xf32, #tpu.memory_space<hbm>> -> memref<32x768xf32, #tpu.memory_space<hbm>>
    tpu.enqueue_dma source(%arg8 : memref<32x768xf32, #tpu.memory_space<vmem>>) target(%dma_start3A_96 : memref<32x768xf32, #tpu.memory_space<hbm>>) target_semaphore(%arg18 : memref<!tpu.dma_semaphore, #tpu.memory_space<semaphore_mem>>)
    %dma_wait3A_97 = arith.constant 0 : i32
    %dma_wait3A_98 = tpu.memref_slice %arg4[%add3A_92, %dma_wait3A_97] : memref<8192x768xf32, #tpu.memory_space<hbm>> -> memref<32x768xf32, #tpu.memory_space<hbm>>
    %dma_wait3A_99 = arith.constant 0 : i32
    %dma_wait3A_100 = tpu.memref_slice %arg4[%add3A_92, %dma_wait3A_99] : memref<8192x768xf32, #tpu.memory_space<hbm>> -> memref<32x768xf32, #tpu.memory_space<hbm>>
    tpu.wait_dma2 semaphore(%arg18 : memref<!tpu.dma_semaphore, #tpu.memory_space<semaphore_mem>>) src(%arg8 : memref<32x768xf32, #tpu.memory_space<vmem>>) dst(%dma_wait3A_100 : memref<32x768xf32, #tpu.memory_space<hbm>>)
    %dma_start3A_101 = arith.constant 7 : i32
    %dma_start3A_102 = arith.constant 0 : i32
    %dma_start3A_103 = tpu.memref_slice %arg5[%dma_start3A_101, %dma_start3A_102] : memref<8x32xi32, #tpu.memory_space<vmem>> -> memref<1x32xi32, #tpu.memory_space<vmem>>
    %dma_start3A_104 = tpu.memref_squeeze %dma_start3A_103 : memref<1x32xi32, #tpu.memory_space<vmem>> -> memref<32xi32, #tpu.memory_space<vmem>>
    %dma_start3A_105 = arith.constant 0 : i32
    %dma_start3A_106 = arith.constant 0 : i32
    %dma_start3A_107 = tpu.memref_slice %arg2[%dma_start3A_105, %dma_start3A_106] : memref<8192x768xf32, #tpu.memory_space<hbm>> -> memref<8192x768xf32, #tpu.memory_space<hbm>>
    tpu.enqueue_indirect_dma source(%dma_start3A_107 : memref<8192x768xf32, #tpu.memory_space<hbm>>) target(%arg8 : memref<32x768xf32, #tpu.memory_space<vmem>>) offsets(%dma_start3A_104 : memref<32xi32, #tpu.memory_space<vmem>>) semaphore(%arg13 : memref<!tpu.dma_semaphore, #tpu.memory_space<semaphore_mem>>)
    %dma_wait3A_108 = arith.constant 3 : i32
    %dma_wait3A_109 = arith.constant 0 : i32
    %dma_wait3A_110 = tpu.memref_slice %arg5[%dma_wait3A_108, %dma_wait3A_109] : memref<8x32xi32, #tpu.memory_space<vmem>> -> memref<1x32xi32, #tpu.memory_space<vmem>>
    %dma_wait3A_111 = tpu.memref_squeeze %dma_wait3A_110 : memref<1x32xi32, #tpu.memory_space<vmem>> -> memref<32xi32, #tpu.memory_space<vmem>>
    %dma_wait3A_112 = arith.constant 0 : i32
    %dma_wait3A_113 = arith.constant 0 : i32
    %dma_wait3A_114 = tpu.memref_slice %arg2[%dma_wait3A_112, %dma_wait3A_113] : memref<8192x768xf32, #tpu.memory_space<hbm>> -> memref<8192x768xf32, #tpu.memory_space<hbm>>
    tpu.wait_indirect_dma semaphore(%arg14 : memref<!tpu.dma_semaphore, #tpu.memory_space<semaphore_mem>>) src(%dma_wait3A_114 : memref<8192x768xf32, #tpu.memory_space<hbm>>) dst(%arg9 : memref<32x768xf32, #tpu.memory_space<vmem>>)
    %add3A_115 = arith.constant 96 : i32
    %add3A_116 = arith.addi %mul3A_2, %add3A_115 : i32
    %dma_start3A_117 = arith.constant 0 : i32
    %dma_start3A_118 = tpu.memref_slice %arg4[%add3A_116, %dma_start3A_117] : memref<8192x768xf32, #tpu.memory_space<hbm>> -> memref<32x768xf32, #tpu.memory_space<hbm>>
    %dma_start3A_119 = arith.constant 0 : i32
    %dma_start3A_120 = tpu.memref_slice %arg4[%add3A_116, %dma_start3A_119] : memref<8192x768xf32, #tpu.memory_space<hbm>> -> memref<32x768xf32, #tpu.memory_space<hbm>>
    tpu.enqueue_dma source(%arg9 : memref<32x768xf32, #tpu.memory_space<vmem>>) target(%dma_start3A_120 : memref<32x768xf32, #tpu.memory_space<hbm>>) target_semaphore(%arg19 : memref<!tpu.dma_semaphore, #tpu.memory_space<semaphore_mem>>)
    %dma_wait3A_121 = arith.constant 4 : i32
    %dma_wait3A_122 = arith.constant 0 : i32
    %dma_wait3A_123 = tpu.memref_slice %arg5[%dma_wait3A_121, %dma_wait3A_122] : memref<8x32xi32, #tpu.memory_space<vmem>> -> memref<1x32xi32, #tpu.memory_space<vmem>>
    %dma_wait3A_124 = tpu.memref_squeeze %dma_wait3A_123 : memref<1x32xi32, #tpu.memory_space<vmem>> -> memref<32xi32, #tpu.memory_space<vmem>>
    %dma_wait3A_125 = arith.constant 0 : i32
    %dma_wait3A_126 = arith.constant 0 : i32
    %dma_wait3A_127 = tpu.memref_slice %arg2[%dma_wait3A_125, %dma_wait3A_126] : memref<8192x768xf32, #tpu.memory_space<hbm>> -> memref<8192x768xf32, #tpu.memory_space<hbm>>
    tpu.wait_indirect_dma semaphore(%arg15 : memref<!tpu.dma_semaphore, #tpu.memory_space<semaphore_mem>>) src(%dma_wait3A_127 : memref<8192x768xf32, #tpu.memory_space<hbm>>) dst(%arg10 : memref<32x768xf32, #tpu.memory_space<vmem>>)
    %add3A_128 = arith.constant 128 : i32
    %add3A_129 = arith.addi %mul3A_2, %add3A_128 : i32
    %dma_start3A_130 = arith.constant 0 : i32
    %dma_start3A_131 = tpu.memref_slice %arg4[%add3A_129, %dma_start3A_130] : memref<8192x768xf32, #tpu.memory_space<hbm>> -> memref<32x768xf32, #tpu.memory_space<hbm>>
    %dma_start3A_132 = arith.constant 0 : i32
    %dma_start3A_133 = tpu.memref_slice %arg4[%add3A_129, %dma_start3A_132] : memref<8192x768xf32, #tpu.memory_space<hbm>> -> memref<32x768xf32, #tpu.memory_space<hbm>>
    tpu.enqueue_dma source(%arg10 : memref<32x768xf32, #tpu.memory_space<vmem>>) target(%dma_start3A_133 : memref<32x768xf32, #tpu.memory_space<hbm>>) target_semaphore(%arg20 : memref<!tpu.dma_semaphore, #tpu.memory_space<semaphore_mem>>)
    %dma_wait3A_134 = arith.constant 5 : i32
    %dma_wait3A_135 = arith.constant 0 : i32
    %dma_wait3A_136 = tpu.memref_slice %arg5[%dma_wait3A_134, %dma_wait3A_135] : memref<8x32xi32, #tpu.memory_space<vmem>> -> memref<1x32xi32, #tpu.memory_space<vmem>>
    %dma_wait3A_137 = tpu.memref_squeeze %dma_wait3A_136 : memref<1x32xi32, #tpu.memory_space<vmem>> -> memref<32xi32, #tpu.memory_space<vmem>>
    %dma_wait3A_138 = arith.constant 0 : i32
    %dma_wait3A_139 = arith.constant 0 : i32
    %dma_wait3A_140 = tpu.memref_slice %arg2[%dma_wait3A_138, %dma_wait3A_139] : memref<8192x768xf32, #tpu.memory_space<hbm>> -> memref<8192x768xf32, #tpu.memory_space<hbm>>
    tpu.wait_indirect_dma semaphore(%arg11 : memref<!tpu.dma_semaphore, #tpu.memory_space<semaphore_mem>>) src(%dma_wait3A_140 : memref<8192x768xf32, #tpu.memory_space<hbm>>) dst(%arg6 : memref<32x768xf32, #tpu.memory_space<vmem>>)
    %add3A_141 = arith.constant 160 : i32
    %add3A_142 = arith.addi %mul3A_2, %add3A_141 : i32
    %dma_start3A_143 = arith.constant 0 : i32
    %dma_start3A_144 = tpu.memref_slice %arg4[%add3A_142, %dma_start3A_143] : memref<8192x768xf32, #tpu.memory_space<hbm>> -> memref<32x768xf32, #tpu.memory_space<hbm>>
    %dma_start3A_145 = arith.constant 0 : i32
    %dma_start3A_146 = tpu.memref_slice %arg4[%add3A_142, %dma_start3A_145] : memref<8192x768xf32, #tpu.memory_space<hbm>> -> memref<32x768xf32, #tpu.memory_space<hbm>>
    tpu.enqueue_dma source(%arg6 : memref<32x768xf32, #tpu.memory_space<vmem>>) target(%dma_start3A_146 : memref<32x768xf32, #tpu.memory_space<hbm>>) target_semaphore(%arg16 : memref<!tpu.dma_semaphore, #tpu.memory_space<semaphore_mem>>)
    %dma_wait3A_147 = arith.constant 6 : i32
    %dma_wait3A_148 = arith.constant 0 : i32
    %dma_wait3A_149 = tpu.memref_slice %arg5[%dma_wait3A_147, %dma_wait3A_148] : memref<8x32xi32, #tpu.memory_space<vmem>> -> memref<1x32xi32, #tpu.memory_space<vmem>>
    %dma_wait3A_150 = tpu.memref_squeeze %dma_wait3A_149 : memref<1x32xi32, #tpu.memory_space<vmem>> -> memref<32xi32, #tpu.memory_space<vmem>>
    %dma_wait3A_151 = arith.constant 0 : i32
    %dma_wait3A_152 = arith.constant 0 : i32
    %dma_wait3A_153 = tpu.memref_slice %arg2[%dma_wait3A_151, %dma_wait3A_152] : memref<8192x768xf32, #tpu.memory_space<hbm>> -> memref<8192x768xf32, #tpu.memory_space<hbm>>
    tpu.wait_indirect_dma semaphore(%arg12 : memref<!tpu.dma_semaphore, #tpu.memory_space<semaphore_mem>>) src(%dma_wait3A_153 : memref<8192x768xf32, #tpu.memory_space<hbm>>) dst(%arg7 : memref<32x768xf32, #tpu.memory_space<vmem>>)
    %add3A_154 = arith.constant 192 : i32
    %add3A_155 = arith.addi %mul3A_2, %add3A_154 : i32
    %dma_start3A_156 = arith.constant 0 : i32
    %dma_start3A_157 = tpu.memref_slice %arg4[%add3A_155, %dma_start3A_156] : memref<8192x768xf32, #tpu.memory_space<hbm>> -> memref<32x768xf32, #tpu.memory_space<hbm>>
    %dma_start3A_158 = arith.constant 0 : i32
    %dma_start3A_159 = tpu.memref_slice %arg4[%add3A_155, %dma_start3A_158] : memref<8192x768xf32, #tpu.memory_space<hbm>> -> memref<32x768xf32, #tpu.memory_space<hbm>>
    tpu.enqueue_dma source(%arg7 : memref<32x768xf32, #tpu.memory_space<vmem>>) target(%dma_start3A_159 : memref<32x768xf32, #tpu.memory_space<hbm>>) target_semaphore(%arg17 : memref<!tpu.dma_semaphore, #tpu.memory_space<semaphore_mem>>)
    %dma_wait3A_160 = arith.constant 7 : i32
    %dma_wait3A_161 = arith.constant 0 : i32
    %dma_wait3A_162 = tpu.memref_slice %arg5[%dma_wait3A_160, %dma_wait3A_161] : memref<8x32xi32, #tpu.memory_space<vmem>> -> memref<1x32xi32, #tpu.memory_space<vmem>>
    %dma_wait3A_163 = tpu.memref_squeeze %dma_wait3A_162 : memref<1x32xi32, #tpu.memory_space<vmem>> -> memref<32xi32, #tpu.memory_space<vmem>>
    %dma_wait3A_164 = arith.constant 0 : i32
    %dma_wait3A_165 = arith.constant 0 : i32
    %dma_wait3A_166 = tpu.memref_slice %arg2[%dma_wait3A_164, %dma_wait3A_165] : memref<8192x768xf32, #tpu.memory_space<hbm>> -> memref<8192x768xf32, #tpu.memory_space<hbm>>
    tpu.wait_indirect_dma semaphore(%arg13 : memref<!tpu.dma_semaphore, #tpu.memory_space<semaphore_mem>>) src(%dma_wait3A_166 : memref<8192x768xf32, #tpu.memory_space<hbm>>) dst(%arg8 : memref<32x768xf32, #tpu.memory_space<vmem>>)
    %add3A_167 = arith.constant 224 : i32
    %add3A_168 = arith.addi %mul3A_2, %add3A_167 : i32
    %dma_start3A_169 = arith.constant 0 : i32
    %dma_start3A_170 = tpu.memref_slice %arg4[%add3A_168, %dma_start3A_169] : memref<8192x768xf32, #tpu.memory_space<hbm>> -> memref<32x768xf32, #tpu.memory_space<hbm>>
    %dma_start3A_171 = arith.constant 0 : i32
    %dma_start3A_172 = tpu.memref_slice %arg4[%add3A_168, %dma_start3A_171] : memref<8192x768xf32, #tpu.memory_space<hbm>> -> memref<32x768xf32, #tpu.memory_space<hbm>>
    tpu.enqueue_dma source(%arg8 : memref<32x768xf32, #tpu.memory_space<vmem>>) target(%dma_start3A_172 : memref<32x768xf32, #tpu.memory_space<hbm>>) target_semaphore(%arg18 : memref<!tpu.dma_semaphore, #tpu.memory_space<semaphore_mem>>)
    %dma_wait3A_173 = arith.constant 0 : i32
    %dma_wait3A_174 = tpu.memref_slice %arg4[%add3A_116, %dma_wait3A_173] : memref<8192x768xf32, #tpu.memory_space<hbm>> -> memref<32x768xf32, #tpu.memory_space<hbm>>
    %dma_wait3A_175 = arith.constant 0 : i32
    %dma_wait3A_176 = tpu.memref_slice %arg4[%add3A_116, %dma_wait3A_175] : memref<8192x768xf32, #tpu.memory_space<hbm>> -> memref<32x768xf32, #tpu.memory_space<hbm>>
    tpu.wait_dma2 semaphore(%arg19 : memref<!tpu.dma_semaphore, #tpu.memory_space<semaphore_mem>>) src(%arg9 : memref<32x768xf32, #tpu.memory_space<vmem>>) dst(%dma_wait3A_176 : memref<32x768xf32, #tpu.memory_space<hbm>>)
    %dma_wait3A_177 = arith.constant 0 : i32
    %dma_wait3A_178 = tpu.memref_slice %arg4[%add3A_129, %dma_wait3A_177] : memref<8192x768xf32, #tpu.memory_space<hbm>> -> memref<32x768xf32, #tpu.memory_space<hbm>>
    %dma_wait3A_179 = arith.constant 0 : i32
    %dma_wait3A_180 = tpu.memref_slice %arg4[%add3A_129, %dma_wait3A_179] : memref<8192x768xf32, #tpu.memory_space<hbm>> -> memref<32x768xf32, #tpu.memory_space<hbm>>
    tpu.wait_dma2 semaphore(%arg20 : memref<!tpu.dma_semaphore, #tpu.memory_space<semaphore_mem>>) src(%arg10 : memref<32x768xf32, #tpu.memory_space<vmem>>) dst(%dma_wait3A_180 : memref<32x768xf32, #tpu.memory_space<hbm>>)
    %dma_wait3A_181 = arith.constant 0 : i32
    %dma_wait3A_182 = tpu.memref_slice %arg4[%add3A_142, %dma_wait3A_181] : memref<8192x768xf32, #tpu.memory_space<hbm>> -> memref<32x768xf32, #tpu.memory_space<hbm>>
    %dma_wait3A_183 = arith.constant 0 : i32
    %dma_wait3A_184 = tpu.memref_slice %arg4[%add3A_142, %dma_wait3A_183] : memref<8192x768xf32, #tpu.memory_space<hbm>> -> memref<32x768xf32, #tpu.memory_space<hbm>>
    tpu.wait_dma2 semaphore(%arg16 : memref<!tpu.dma_semaphore, #tpu.memory_space<semaphore_mem>>) src(%arg6 : memref<32x768xf32, #tpu.memory_space<vmem>>) dst(%dma_wait3A_184 : memref<32x768xf32, #tpu.memory_space<hbm>>)
    %dma_wait3A_185 = arith.constant 0 : i32
    %dma_wait3A_186 = tpu.memref_slice %arg4[%add3A_155, %dma_wait3A_185] : memref<8192x768xf32, #tpu.memory_space<hbm>> -> memref<32x768xf32, #tpu.memory_space<hbm>>
    %dma_wait3A_187 = arith.constant 0 : i32
    %dma_wait3A_188 = tpu.memref_slice %arg4[%add3A_155, %dma_wait3A_187] : memref<8192x768xf32, #tpu.memory_space<hbm>> -> memref<32x768xf32, #tpu.memory_space<hbm>>
    tpu.wait_dma2 semaphore(%arg17 : memref<!tpu.dma_semaphore, #tpu.memory_space<semaphore_mem>>) src(%arg7 : memref<32x768xf32, #tpu.memory_space<vmem>>) dst(%dma_wait3A_188 : memref<32x768xf32, #tpu.memory_space<hbm>>)
    %dma_wait3A_189 = arith.constant 0 : i32
    %dma_wait3A_190 = tpu.memref_slice %arg4[%add3A_168, %dma_wait3A_189] : memref<8192x768xf32, #tpu.memory_space<hbm>> -> memref<32x768xf32, #tpu.memory_space<hbm>>
    %dma_wait3A_191 = arith.constant 0 : i32
    %dma_wait3A_192 = tpu.memref_slice %arg4[%add3A_168, %dma_wait3A_191] : memref<8192x768xf32, #tpu.memory_space<hbm>> -> memref<32x768xf32, #tpu.memory_space<hbm>>
    tpu.wait_dma2 semaphore(%arg18 : memref<!tpu.dma_semaphore, #tpu.memory_space<semaphore_mem>>) src(%arg8 : memref<32x768xf32, #tpu.memory_space<vmem>>) dst(%dma_wait3A_192 : memref<32x768xf32, #tpu.memory_space<hbm>>)
    return
  }
}

</mosaic_0001>

<sc_bundles>
// kernel: kernel.3.cloned.1.call-start
scs
__scs_entry_jumppad:
0x0: {  	(pc) =	sbr.rel $0x88, $3  }
0x1: {  	(tag) =	ssettag $0x0;
	lr =	simm.s32 $0x1  }
0x2: {  	[smem:$0x3F9F] =	sst lr;
	_ =	strace $0xD0000000  }
0x3: {  	_ = 	snop  }
0x4: {  	_ = 	snop  }
0x5: {  	_ = 	snop  }
0x6: {  	_ = 	snop  }
0x7: {  	_ = 	snop  }
__scs_overlays_trampoline_lowered:
0x8: {  	[smem:$0x3FAE] =	sst s0  }
0x9: {  	[smem:$0x3FAF] =	sst s1  }
0xa: {  	[smem:$0x3FB0] =	sst s2  }
0xb: {  	[smem:$0x3FB1] =	sst s3  }
0xc: {  	[smem:$0x3FB2] =	sst s4  }
0xd: {  	[smem:$0x3FB3] =	sst s5  }
0xe: {  	[smem:$0x3FB4] =	sst s6  }
0xf: {  	[smem:$0x3FB5] =	sst s7  }
0x10: {  	[smem:$0x3FB6] =	sst s8  }
0x11: {  	[smem:$0x3FB7] =	sst s9;
	s0 =	simm.s32 @!p0 $0x0  }
0x12: {  	s1 =	sld [smem:$0x3F9D];
	s0 =	simm.s32 @p0 $0x1  }
0x13: {  	[smem:$0x3FB8] =	sst s0;
	s0 =	simm.s32 @!p1 $0x0  }
0x14: {  	s2 =	sld [smem:$0x3F9C];
	s0 =	simm.s32 @p1 $0x1  }
0x15: {  	[smem:$0x3FB9] =	sst s0;
	s0 =	simm.s32 @!p2 $0x0  }
0x16: {  	s3 =	sld [smem:$0x3FDB];
	s0 =	simm.s32 @p2 $0x1  }
0x17: {  	s4 =	simm.s32 $0x1BF5;
	[smem:$0x3FBB] =	sst s0  }
0x18: {  	s0 =	sld [smem:$0x3F9E];
	_ =	swait.ge [sflag:s4], $0x0  }
0x19: {  	s7 =	sld [smem:$0x3F9F]  }
0x1a: {  	s8 =	sadd.s32 $0xFFFFE003, lr  }
0x1b: {  	s9 =	sadd.s32 $0xFFFFFEF7, lr;
	s5 =	simm.s32 $0xFFFFFFFF;
	p2 =	slt.u32 s8, $0xFFFFF086  }
0x1c: {  	p1 =	slt.u32 s9, $0xF7A;
	s5 =	simm.s32 @!p2 $0x0  }
0x1d: {  	s5 =	simm.s32 @p1 $0x1;
	p0 =	seq.s32 s7, s2  }
0x1e: {  	s7 =	smul.u32 @!p0 $0xF7A, s2;
	p2 =	seq.s32 @!p0 s5, $0x0  }
0x1f: {  	s9 =	smul.u32 $0xF7A, s1;
	s8 =	simm.s32 @!p0 $0x1BF5;
	p2 =	por !p2, p0  }
0x20: {  	[sflag:s8] =	ssyncset.s32 @!p0 $0xFFFFF086;
	s6 =	sadd.s32 @!p0 s3, s7;
	s7 =	simm.s32 @!p0 $0x108  }
0x21: {  	s3 =	sadd.s32 s3, s9;
	s6 =	sadd.s32 @!p0 $0x88, s6;
	s7 =	simm.s32 @p2 $0x1082  }
0x22: {  	[simem:s7], [sflag:s8] =	dma.local @!p0 [hbm:s6], $0xF7A  }
0x23: {  	s9 =	sor.u32 $0xD0000000, s2;
	s6 =	simm.s32 $0x108;
	_ =	swait.ge @!p0 [sflag:s8], $0x0  }
0x24: {  	s3 =	sadd.s32 $0x88, s3;
	s6 =	simm.s32 @!p1 $0x1082;
	[sflag:s4] =	ssyncset.s32 $0xFFFFF086  }
0x25: {  	[simem:s6], [sflag:s4] =	dma.local [hbm:s3], $0xF7A  }
0x26: {  	[smem:$0x3F9F] =	sst s1;
	(tag) =	ssettag s2;
	_ =	strace s9  }
0x27: {  	s1 =	sld [smem:$0x3FAF]  }
0x28: {  	s2 =	sld [smem:$0x3FB0]  }
0x29: {  	s4 =	sld [smem:$0x3FB2]  }
0x2a: {  	p0 =	seq.s32 s5, $0x0;
	s5 =	sld [smem:$0x3FB3]  }
0x2b: {  	s6 =	sld [smem:$0x3FB4]  }
0x2c: {  	s7 =	sld [smem:$0x3FB5]  }
0x2d: {  	s3 =	simm.s32 $0x108;
	s8 =	sld [smem:$0x3FB6]  }
0x2e: {  	s3 =	simm.s32 @!p0 $0x1082;
	s9 =	sld [smem:$0x3FB7]  }
0x2f: {  	lr =	sadd.s32 s0, s3;
	s0 =	sld [smem:$0x3FAE]  }
0x30: {  	s3 =	sld [smem:$0x3FB1]  }
0x31: {  	[smem:$0x3FBA] =	sst s10  }
0x32: {  	s10 =	sld [smem:$0x3FB8];
	_ =	sdelay $0x3  }
0x33: {  	p0 =	seq.s32 s10, $0x1;
	s10 =	sld [smem:$0x3FBA];
	_ =	sdelay $0x3  }
0x34: {  	[smem:$0x3FBA] =	sst s10  }
0x35: {  	s10 =	sld [smem:$0x3FB9];
	_ =	sdelay $0x3  }
0x36: {  	p1 =	seq.s32 s10, $0x1;
	s10 =	sld [smem:$0x3FBA];
	_ =	sdelay $0x3  }
0x37: {  	[smem:$0x3FBA] =	sst s10  }
0x38: {  	s10 =	sld [smem:$0x3FBB]  }
0x39: {  	_ = 	snop;
	(pc) =	sbr.ind lr, $3  }
0x3a: {  	_ = 	snop  }
0x3b: {  	_ = 	snop  }
0x3c: {  	p2 =	seq.s32 s10, $0x1;
	s10 =	sld [smem:$0x3FBA]  }
0x3d: {  	_ =	shalt  }
0x3e: {  	_ =	shalt  }
0x3f: {  	_ =	shalt  }
0x40: {  	_ =	shalt  }
0x41: {  	_ =	shalt  }
0x42: {  	_ =	shalt  }
0x43: {  	_ =	shalt  }
0x44: {  	_ =	shalt  }
0x45: {  	_ =	shalt  }
0x46: {  	_ =	shalt  }
0x47: {  	_ =	shalt  }
0x48: {  	_ =	shalt  }
0x49: {  	_ =	shalt  }
0x4a: {  	_ =	shalt  }
0x4b: {  	_ =	shalt  }
0x4c: {  	_ =	shalt  }
0x4d: {  	_ =	shalt  }
0x4e: {  	_ =	shalt  }
0x4f: {  	_ =	shalt  }
0x50: {  	_ =	shalt  }
0x51: {  	_ =	shalt  }
0x52: {  	_ =	shalt  }
0x53: {  	_ =	shalt  }
0x54: {  	_ =	shalt  }
0x55: {  	_ =	shalt  }
0x56: {  	_ =	shalt  }
0x57: {  	_ =	shalt  }
0x58: {  	_ =	shalt  }
0x59: {  	_ =	shalt  }
0x5a: {  	_ =	shalt  }
0x5b: {  	_ =	shalt  }
0x5c: {  	_ =	shalt  }
0x5d: {  	_ =	shalt  }
0x5e: {  	_ =	shalt  }
0x5f: {  	_ =	shalt  }
0x60: {  	_ =	shalt  }
0x61: {  	_ =	shalt  }
0x62: {  	_ =	shalt  }
0x63: {  	_ =	shalt  }
0x64: {  	_ =	shalt  }
0x65: {  	_ =	shalt  }
0x66: {  	_ =	shalt  }
0x67: {  	_ =	shalt  }
0x68: {  	_ =	shalt  }
0x69: {  	_ =	shalt  }
0x6a: {  	_ =	shalt  }
0x6b: {  	_ =	shalt  }
0x6c: {  	_ =	shalt  }
0x6d: {  	_ =	shalt  }
0x6e: {  	_ =	shalt  }
0x6f: {  	_ =	shalt  }
0x70: {  	_ =	shalt  }
0x71: {  	_ =	shalt  }
0x72: {  	_ =	shalt  }
0x73: {  	_ =	shalt  }
0x74: {  	_ =	shalt  }
0x75: {  	_ =	shalt  }
0x76: {  	_ =	shalt  }
0x77: {  	_ =	shalt  }
0x78: {  	_ =	shalt  }
0x79: {  	_ =	shalt  }
0x7a: {  	_ =	shalt  }
0x7b: {  	_ =	shalt  }
0x7c: {  	_ =	shalt  }
0x7d: {  	_ =	shalt  }
0x7e: {  	_ =	shalt  }
0x7f: {  	_ =	shalt  }
0x80: {  	_ =	shalt  }
0x81: {  	_ =	shalt  }
0x82: {  	_ =	shalt  }
0x83: {  	_ =	shalt  }
0x84: {  	_ =	shalt  }
0x85: {  	_ =	shalt  }
0x86: {  	_ =	shalt  }
0x87: {  	_ =	shalt  }
.Lfunc_end0:
.L_simem_size_0:
called_computation_lowered:
.L_overlay_start_0:
0x88: {  	s2 =	sld [smem:$0x3FD9]  }
0x89: {  	s3 =	sld [smem:$0x3FFE];
	_ =	sdelay $0x1  }
0x8a: {  	s1 =	srdreg.scid  }
0x8b: {  	s0 =	sand.u32 $0x1, s1  }
0x8c: {  	s17 =	sshll.u32 s0, $0xA;
	s2 =	sadd.s32 s3, s2  }
0x8d: {  	s2 =	sadd.s32 s2, s17  }
0x8e: {  	[smem:$0x3FC6] =	sst s2  }
0x8f: {  	_ = 	snop  }
0x90: {  	s2 =	sld [smem:$0x3FC9]  }
0x91: {  	s18 =	sld [smem:$0x3FD0];
	(tm) =	ssettm $0x1  }
0x92: {  	s4 =	sld [smem:$0x3FFB];
	_ =	sdelay $0x3  }
0x93: {  	_ =	strace s4  }
0x94: {  	s4 =	sld [smem:$0x3FFC];
	_ =	sdelay $0x3  }
0x95: {  	_ =	strace s4  }
0x96: {  	s4 =	sld [smem:$0x3FFD];
	_ =	sdelay $0x3  }
0x97: {  	_ =	strace s4  }
0x98: {  	_ =	strace $0x8FFFFFFF  }
0x99: {  	s19 =	sld [smem:$0x3FDB];
	_ =	sdelay $0x1  }
0x9a: {  	s5 =	simm.s32 $_scs_section_size  }
0x9b: {  	s6 =	simm.s32 $_size__tile_overlayer_lowered;
	s7 =	simm.s32 $_tile_overlayer_lowered  }
0x9c: {  	s22 =	simm.s32 $0x1BFF;
	s21 =	sshll.u32 s7, $0x1;
	s4 =	sadd.s32 s5, s19  }
0x9d: {  	s8 =	simm.s32 $0x0;
	s20 =	sshll.u32 s6, $0x1;
	s6 =	sadd.s32 s21, s4  }
0x9e: {  	[timem:s8], [sflag:s22] =	dma.local [hbm:s6], s20  }
0x9f: {  	_ =	swait.ge [sflag:s22], s20  }
0xa0: {  	s5 =	ssub.s32 $0x0, s20;
	[sflag:s22] =	ssyncset.done $0x0  }
0xa1: {  	[sflag:s22] =	ssyncadd.s32 s5;
	_ =	sdelay $0x1  }
0xa2: {  	s23 =	simm.s32 $0x1B8B  }
0xa3: {  	_ =	swait.ge [sflag:s23], $0x1  }
0xa4: {  	[sflag:s23] =	ssyncset.done $0x0  }
0xa5: {  	s25 =	simm.s32 $0x1B8E;
	s24 =	sld [smem:$0x3FFE];
	[sflag:s23] =	ssyncadd.s32 $0xFFFFFFFF  }
0xa6: {  	s26 =	simm.s32 $execute0_lowered;
	[smem:$0x3FD2] =	sst s25  }
0xa7: {  	s6 =	sshll.u32 s26, $0x1;
	_ =	strace $0x80000046;
	[dreg:$0x1] =	wrdreg $0xFFFFFFFF  }
0xa8: {  	s28 =	simm.s32 $_size_execute0_lowered;
	s4 =	sadd.s32 s4, s6;
	[dreg:$0x0] =	wrdreg $0x0  }
0xa9: {  	s6 =	sshll.u32 s28, $0x1;
	[dreg:$0x2] =	wrdreg s4  }
0xaa: {  	[dreg:$0x3] =	wrdreg s6  }
0xab: {  	[dreg:$0x4] =	wrdreg $0xC0  }
0xac: {  	_ =	task [dreg:s8], $0x5FFFF  }
0xad: {  	[dreg:$0x1] =	wrdreg $0xFFFFFFFF  }
0xae: {  	[dreg:$0x0] =	wrdreg $0x60  }
0xaf: {  	[dreg:$0x2] =	wrdreg s2  }
0xb0: {  	[dreg:$0x3] =	wrdreg s24  }
0xb1: {  	[dreg:$0x4] =	wrdreg s18  }
0xb2: {  	[dreg:$0x5] =	wrdreg $0x9  }
0xb3: {  	_ =	task.clear_ibuf [dreg:s8], $0x6FFFF;
	_ =	strace $0x90000046  }
0xb4: {  	s29 =	simm.s32 $0x9;
	_ =	strace $0x80000048  }
0xb5: {  	_ =	swait.ge [sflag:s29], $0x1  }
0xb6: {  	[sflag:s29] =	ssyncadd.s32 $0xFFFFFFFF  }
0xb7: {  	_ =	strace $0x90000048  }
0xb8: {  	_ =	sfence  }
0xb9: {  	s30 =	sld [smem:$0x0];
	_ =	sdelay $0x2  }
0xba: {  	s31 =	sshll.u32 s1, $0xD;
	s1 =	sshrl.u32 s1, $0x2  }
0xbb: {  	s3 =	sand.u32 $0x4000, s31;
	s1 =	sadd.s32 s1, s30  }
0xbc: {  	s0 =	sor.u32 s3, s0;
	s1 =	sshll.u32 s1, $0x11  }
0xbd: {  	s0 =	sor.u32 s1, s0  }
0xbe: {  	s0 =	sadd.s32 $0x8F2B, s0  }
0xbf: {  	[sflag:s0] =	ssyncadd.remote.s32 $0x1  }
0xc0: {  	_ =	sfence.sel $0xFFFF  }
0xc1: {  	[dreg:$0x0] =	wrdreg $0xFFFFFFFF;
	(pc) =	sbr.abs _section_cstart, $3  }
0xc2: {  	[dreg:$0x1] =	wrdreg $0xFFFFFFFF  }
0xc3: {  	_ =	task.clear_ibuf [dreg:s8], $0x2FFFF;
	_ =	strace $0x9FFFFFFF  }
0xc4: {  	(tm) =	ssettm $0x7FFFFFFF  }
0xc5: {  	_ =	shalt  }
tec
execute0_lowered:
.L_overlay_start_1:
0x0: {  	(tag) =	ssettag $0x1  }
0x1: {  	s1 =	srdreg.scid  }
0x2: {  	s0 =	rddreg [dreg:$0x0];
	s1 =	sand.u32 $0x1, s1  }
0x3: {  	s2 =	rddreg [dreg:$0x1];
	s5 =	stileid.u32;
	s3 =	sshll.u32 s1, $0x4  }
0x4: {  	s4 =	rddreg [dreg:$0x2];
	s5 =	sor.u32 s5, s3;
	s3 =	simm.s32 $0x0  }
0x5: {  	s8 =	simm.s32 $0x14400;
	[smem:$0x7FF] =	sst s3  }
0x6: {  	s9 =	simm.s32 $0x14C00;
	_ =	strace $0x80000047;
	[dreg:$0xf] =	wrdreg s8  }
0x7: {  	s10 =	simm.s32 $0x15400;
	[dreg:$0x10] =	wrdreg s9  }
0x8: {  	s11 =	simm.s32 $0x15C00;
	s12 =	simm.s32 $0x16400;
	[dreg:$0x11] =	wrdreg s10  }
0x9: {  	s13 =	simm.s32 $0x16C00;
	s14 =	simm.s32 $0x17400;
	[dreg:$0x12] =	wrdreg s11  }
0xa: {  	s15 =	simm.s32 $0x17C00;
	s16 =	simm.s32 $0x18C00;
	[dreg:$0x13] =	wrdreg s12  }
0xb: {  	s17 =	simm.s32 $0x19400;
	s28 =	simm.s32 $0x7;
	[dreg:$0x14] =	wrdreg s13  }
0xc: {  	s29 =	simm.s32 $0x3;
	s1 =	ssub.s32 $0x2, s1;
	[dreg:$0x15] =	wrdreg s14  }
0xd: {  	s30 =	simm.s32 $0x8;
	s26 =	sshrl.u32 s1, $0x1;
	[dreg:$0x16] =	wrdreg s15  }
0xe: {  	s6 =	sshll.u32 s5, $0x7;
	s7 =	smul.u32 $0x6000, s5;
	[dreg:$0x17] =	wrdreg s16  }
0xf: {  	s1 =	ssub.s32 s1, s26;
	s26 =	simm.s32 $0x1DC00;
	[dreg:$0x18] =	wrdreg s17  }
0x10: {  	s2 =	sadd.s32 s6, s2;
	s6 =	simm.s32 $0x13400;
	[smem:$0x7FD] =	sst s26  }
0x11: {  	s31 =	simm.s32 $0x6C00;
	s2 =	sadd.s32 $0x400, s2;
	[dreg:$0xd] =	wrdreg s6  }
0x12: {  	s5 =	smul.u32 $0x30000, s5;
	s18 =	sadd.s32 s4, s7;
	[dreg:$0x4] =	wrdreg s2  }
0x13: {  	s26 =	simm.s32 $0x2;
	s7 =	simm.s32 $0x13C00;
	[smem:$0x7FB] =	sst s18  }
0x14: {  	s13 =	simm.s32 $0xC00;
	s19 =	sadd.s32 $0xC00, s18;
	[dreg:$0xe] =	wrdreg s7  }
0x15: {  	s5 =	sshrl.u32 s5, $0x3;
	s20 =	sadd.s32 $0x1800, s18;
	[dreg:$0x5] =	wrdreg s19  }
0x16: {  	s4 =	sadd.s32 s4, s5;
	s5 =	simm.s32 $0x12C00;
	[dreg:$0x6] =	wrdreg s20  }
0x17: {  	s14 =	simm.s32 $0x1400;
	s18 =	simm.s32 $0x19C00;
	[dreg:$0xc] =	wrdreg s5  }
0x18: {  	s15 =	simm.s32 $0x1C00;
	s21 =	sadd.s32 $0x2400, s4;
	[dreg:$0x19] =	wrdreg s18  }
0x19: {  	s16 =	simm.s32 $0x2400;
	s22 =	sadd.s32 $0x3000, s4;
	[dreg:$0x7] =	wrdreg s21  }
0x1a: {  	s17 =	simm.s32 $0x2C00;
	s23 =	sadd.s32 $0x3C00, s4;
	[dreg:$0x8] =	wrdreg s22  }
0x1b: {  	s10 =	simm.s32 $0x8400;
	s24 =	sadd.s32 $0x4800, s4;
	[dreg:$0x9] =	wrdreg s23  }
0x1c: {  	s9 =	simm.s32 $0x8C00;
	s25 =	sadd.s32 $0x5400, s4;
	[dreg:$0xa] =	wrdreg s24  }
0x1d: {  	s6 =	sadd.s32 $0x200, s0;
	s19 =	simm.s32 $0x1A400;
	[dreg:$0xb] =	wrdreg s25  }
0x1e: {  	s7 =	smax.u32 s1, $0x1;
	s20 =	simm.s32 $0x1AC00;
	[dreg:$0x1a] =	wrdreg s19  }
0x1f: {  	s5 =	sadd.s32 $0x100, s0;
	[dreg:$0x1b] =	wrdreg s20;
	s21 =	simm.s32 $0x1B400  }
0x20: {  	s18 =	simm.s32 $0x3400;
	s22 =	simm.s32 $0x1BC00;
	[dreg:$0x1c] =	wrdreg s21  }
0x21: {  	s4 =	simm.s32 $0x6400;
	s23 =	simm.s32 $0x1C400;
	[dreg:$0x1d] =	wrdreg s22  }
0x22: {  	s24 =	simm.s32 $0x1CC00;
	s25 =	simm.s32 $0x1D400;
	[dreg:$0x1e] =	wrdreg s23  }
0x23: {  	v2 =	vlaneseq.u32;
	s19 =	simm.s32 $0x3C00;
	s20 =	simm.s32 $0x4400;
	[dreg:$0x1f] =	wrdreg s24  }
0x24: {  	vm0 =	vmmov $0xffff;
	v1 =	vshrl.u32 v2, $0x3;
	[smem:$0x7FC] =	sst s25;
	s24 =	simm.s32 $0x1;
	s25 =	simm.s32 $0x6  }
0x25: {  	v0 =	vand.u32 $0x7, v2;
	v2 =	vor.u32 $0x8, v2;
	v1 =	vmul.u32 $0x8, v1;
	s21 =	simm.s32 $0x400;
	s22 =	simm.s32 $0x4C00;
	s23 =	simm.s32 $0x5400  }
.LBB2_1:
0x26: {  	s11 =	rddreg [dreg:$0x4];
	s8 =	simm.s32 $0xB  }
0x27: {  	[tilespmem:s3], [sflag:$0xB] =	stream.linear.gather [hbm4b:s11+s3], $0x400, $0x38;
	[tilespmem:$0x1E400] =	vst v63  }
0x28: {  	_ =	swait.ge [sflag:s8], $0x400  }
0x29: {  	[sflag:s8] =	ssyncset.done $0x0  }
0x2a: {  	[sflag:s8] =	ssyncadd.s32 $0xFFFFFC00  }
0x2b: {  	v3 =	vld [tilespmem:$0x0];
	_ =	sdelay $0x4  }
0x2c: {  	v4 =	vshrl.u32 v3, $0x3  }
0x2d: {  	v4 =	vmul.u32 $0x30, v4  }
0x2e: {  	v3 =	vand.u32 $0x7, v3  }
0x2f: {  	v3 =	vor.u32 v3, v4  }
0x30: {  	v4 =	vperm.xlane v3, v0;
	_ =	sdelay $0x1  }
0x31: {  	v4 =	vadd.s32 v1, v4;
	_ =	sdelay $0x3  }
0x32: {  	v3 =	vperm.xlane v3, v2  }
0x33: {  	[tilespmem:s21], [sflag:$0x1] =	stream.indirect_vreg.gather [hbm4b:s0+s3], $0x80, v4, vm0, $0xb8;
	[tilespmem:$0x1E400] =	vst v63  }
0x34: {  	v3 =	vadd.s32 v1, v3  }
0x35: {  	[tilespmem:s13], [sflag:$0x1] =	stream.indirect_vreg.gather [hbm4b:s5+s3], $0x80, v4, vm0, $0xb8;
	[tilespmem:$0x1E400] =	vst v63  }
0x36: {  	_ = 	snop  }
0x37: {  	[tilespmem:s14], [sflag:$0x1] =	stream.indirect_vreg.gather [hbm4b:s6+s3], $0x80, v4, vm0, $0xb8;
	[tilespmem:$0x1E400] =	vst v63  }
0x38: {  	_ = 	snop  }
0x39: {  	[tilespmem:s15], [sflag:$0x1] =	stream.indirect_vreg.gather [hbm4b:s0+s3], $0x80, v3, vm0, $0xb8;
	[tilespmem:$0x1E400] =	vst v63  }
0x3a: {  	_ = 	snop  }
0x3b: {  	[tilespmem:s16], [sflag:$0x1] =	stream.indirect_vreg.gather [hbm4b:s5+s3], $0x80, v3, vm0, $0xb8;
	[tilespmem:$0x1E400] =	vst v63  }
0x3c: {  	_ = 	snop  }
0x3d: {  	[tilespmem:s17], [sflag:$0x1] =	stream.indirect_vreg.gather [hbm4b:s6+s3], $0x80, v3, vm0, $0xb8;
	[tilespmem:$0x1E400] =	vst v63  }
0x3e: {  	v3 =	vld [tilespmem:$0x10];
	_ =	sdelay $0x4  }
0x3f: {  	v49 =	vshrl.u32 v3, $0x3  }
0x40: {  	v4 =	vmul.u32 $0x30, v49  }
0x41: {  	v3 =	vand.u32 $0x7, v3  }
0x42: {  	v3 =	vor.u32 v3, v4  }
0x43: {  	v4 =	vperm.xlane v3, v0;
	_ =	sdelay $0x1  }
0x44: {  	v4 =	vadd.s32 v1, v4;
	_ =	sdelay $0x3  }
0x45: {  	v3 =	vperm.xlane v3, v2  }
0x46: {  	[tilespmem:s18], [sflag:$0x1] =	stream.indirect_vreg.gather [hbm4b:s0+s3], $0x80, v4, vm0, $0xb8;
	[tilespmem:$0x1E400] =	vst v63  }
0x47: {  	v3 =	vadd.s32 v1, v3  }
0x48: {  	[tilespmem:s19], [sflag:$0x1] =	stream.indirect_vreg.gather [hbm4b:s5+s3], $0x80, v4, vm0, $0xb8;
	[tilespmem:$0x1E400] =	vst v63  }
0x49: {  	_ = 	snop  }
0x4a: {  	[tilespmem:s20], [sflag:$0x1] =	stream.indirect_vreg.gather [hbm4b:s6+s3], $0x80, v4, vm0, $0xb8;
	[tilespmem:$0x1E400] =	vst v63  }
0x4b: {  	_ = 	snop  }
0x4c: {  	[tilespmem:s22], [sflag:$0x1] =	stream.indirect_vreg.gather [hbm4b:s0+s3], $0x80, v3, vm0, $0xb8;
	[tilespmem:$0x1E400] =	vst v63  }
0x4d: {  	_ = 	snop  }
0x4e: {  	[tilespmem:s23], [sflag:$0x1] =	stream.indirect_vreg.gather [hbm4b:s5+s3], $0x80, v3, vm0, $0xb8;
	[tilespmem:$0x1E400] =	vst v63  }
0x4f: {  	s8 =	simm.s32 $0x5C00  }
0x50: {  	[tilespmem:s8], [sflag:$0x1] =	stream.indirect_vreg.gather [hbm4b:s6+s3], $0x80, v3, vm0, $0xb8;
	[tilespmem:$0x1E400] =	vst v63  }
0x51: {  	v3 =	vld [tilespmem:$0x80];
	_ =	sdelay $0x4  }
0x52: {  	v50 =	vshrl.u32 v3, $0x3  }
0x53: {  	v4 =	vmul.u32 $0x30, v50  }
0x54: {  	v3 =	vand.u32 $0x7, v3  }
0x55: {  	v3 =	vor.u32 v3, v4  }
0x56: {  	v4 =	vperm.xlane v3, v0;
	_ =	sdelay $0x1  }
0x57: {  	v4 =	vadd.s32 v1, v4;
	_ =	sdelay $0x3  }
0x58: {  	v3 =	vperm.xlane v3, v2  }
0x59: {  	[tilespmem:s4], [sflag:$0x2] =	stream.indirect_vreg.gather [hbm4b:s0+s3], $0x80, v4, vm0, $0xb8;
	[tilespmem:$0x1E400] =	vst v63  }
0x5a: {  	v3 =	vadd.s32 v1, v3  }
0x5b: {  	[tilespmem:s31], [sflag:$0x2] =	stream.indirect_vreg.gather [hbm4b:s5+s3], $0x80, v4, vm0, $0xb8;
	[tilespmem:$0x1E400] =	vst v63  }
0x5c: {  	s1 =	simm.s32 $0x7400  }
0x5d: {  	[tilespmem:s1], [sflag:$0x2] =	stream.indirect_vreg.gather [hbm4b:s6+s3], $0x80, v4, vm0, $0xb8;
	[tilespmem:$0x1E400] =	vst v63  }
0x5e: {  	s11 =	simm.s32 $0x7C00  }
0x5f: {  	[tilespmem:s11], [sflag:$0x2] =	stream.indirect_vreg.gather [hbm4b:s0+s3], $0x80, v3, vm0, $0xb8;
	[tilespmem:$0x1E400] =	vst v63  }
0x60: {  	_ = 	snop  }
0x61: {  	[tilespmem:s10], [sflag:$0x2] =	stream.indirect_vreg.gather [hbm4b:s5+s3], $0x80, v3, vm0, $0xb8;
	[tilespmem:$0x1E400] =	vst v63  }
0x62: {  	_ = 	snop  }
0x63: {  	[tilespmem:s9], [sflag:$0x2] =	stream.indirect_vreg.gather [hbm4b:s6+s3], $0x80, v3, vm0, $0xb8;
	[tilespmem:$0x1E400] =	vst v63  }
0x64: {  	v3 =	vld [tilespmem:$0x90];
	_ =	sdelay $0x4  }
0x65: {  	v51 =	vshrl.u32 v3, $0x3  }
0x66: {  	v4 =	vmul.u32 $0x30, v51  }
0x67: {  	v3 =	vand.u32 $0x7, v3  }
0x68: {  	v3 =	vor.u32 v3, v4  }
0x69: {  	v4 =	vperm.xlane v3, v0;
	_ =	sdelay $0x1  }
0x6a: {  	v4 =	vadd.s32 v1, v4;
	_ =	sdelay $0x3  }
0x6b: {  	s12 =	simm.s32 $0x9400;
	v3 =	vperm.xlane v3, v2  }
0x6c: {  	[tilespmem:s12], [sflag:$0x2] =	stream.indirect_vreg.gather [hbm4b:s0+s3], $0x80, v4, vm0, $0xb8;
	[tilespmem:$0x1E400] =	vst v63  }
0x6d: {  	s2 =	simm.s32 $0x9C00;
	v3 =	vadd.s32 v1, v3  }
0x6e: {  	[tilespmem:s2], [sflag:$0x2] =	stream.indirect_vreg.gather [hbm4b:s5+s3], $0x80, v4, vm0, $0xb8;
	[tilespmem:$0x1E400] =	vst v63  }
0x6f: {  	s11 =	simm.s32 $0xA400  }
0x70: {  	[tilespmem:s11], [sflag:$0x2] =	stream.indirect_vreg.gather [hbm4b:s6+s3], $0x80, v4, vm0, $0xb8;
	[tilespmem:$0x1E400] =	vst v63  }
0x71: {  	s12 =	simm.s32 $0xAC00  }
0x72: {  	[tilespmem:s12], [sflag:$0x2] =	stream.indirect_vreg.gather [hbm4b:s0+s3], $0x80, v3, vm0, $0xb8;
	[tilespmem:$0x1E400] =	vst v63  }
0x73: {  	s2 =	simm.s32 $0xB400  }
0x74: {  	[tilespmem:s2], [sflag:$0x2] =	stream.indirect_vreg.gather [hbm4b:s5+s3], $0x80, v3, vm0, $0xb8;
	[tilespmem:$0x1E400] =	vst v63  }
0x75: {  	s11 =	simm.s32 $0xBC00  }
0x76: {  	[tilespmem:s11], [sflag:$0x2] =	stream.indirect_vreg.gather [hbm4b:s6+s3], $0x80, v3, vm0, $0xb8;
	[tilespmem:$0x1E400] =	vst v63  }
0x77: {  	v3 =	vld [tilespmem:$0x100];
	_ =	sdelay $0x4  }
0x78: {  	v52 =	vshrl.u32 v3, $0x3  }
0x79: {  	v4 =	vmul.u32 $0x30, v52  }
0x7a: {  	v3 =	vand.u32 $0x7, v3  }
0x7b: {  	v3 =	vor.u32 v3, v4  }
0x7c: {  	v4 =	vperm.xlane v3, v0;
	_ =	sdelay $0x1  }
0x7d: {  	v4 =	vadd.s32 v1, v4;
	_ =	sdelay $0x3  }
0x7e: {  	s1 =	simm.s32 $0xC400;
	v3 =	vperm.xlane v3, v2  }
0x7f: {  	[tilespmem:s1], [sflag:$0x3] =	stream.indirect_vreg.gather [hbm4b:s0+s3], $0x80, v4, vm0, $0xb8;
	[tilespmem:$0x1E400] =	vst v63  }
0x80: {  	s2 =	simm.s32 $0xCC00;
	v3 =	vadd.s32 v1, v3  }
0x81: {  	[tilespmem:s2], [sflag:$0x3] =	stream.indirect_vreg.gather [hbm4b:s5+s3], $0x80, v4, vm0, $0xb8;
	[tilespmem:$0x1E400] =	vst v63  }
0x82: {  	s12 =	simm.s32 $0xD400  }
0x83: {  	[tilespmem:s12], [sflag:$0x3] =	stream.indirect_vreg.gather [hbm4b:s6+s3], $0x80, v4, vm0, $0xb8;
	[tilespmem:$0x1E400] =	vst v63  }
0x84: {  	s11 =	simm.s32 $0xDC00  }
0x85: {  	[tilespmem:s11], [sflag:$0x3] =	stream.indirect_vreg.gather [hbm4b:s0+s3], $0x80, v3, vm0, $0xb8;
	[tilespmem:$0x1E400] =	vst v63  }
0x86: {  	s12 =	simm.s32 $0xE400  }
0x87: {  	[tilespmem:s12], [sflag:$0x3] =	stream.indirect_vreg.gather [hbm4b:s5+s3], $0x80, v3, vm0, $0xb8;
	[tilespmem:$0x1E400] =	vst v63  }
0x88: {  	s11 =	simm.s32 $0xEC00  }
0x89: {  	[tilespmem:s11], [sflag:$0x3] =	stream.indirect_vreg.gather [hbm4b:s6+s3], $0x80, v3, vm0, $0xb8;
	[tilespmem:$0x1E400] =	vst v63  }
0x8a: {  	v3 =	vld [tilespmem:$0x110];
	_ =	sdelay $0x4  }
0x8b: {  	v53 =	vshrl.u32 v3, $0x3  }
0x8c: {  	v4 =	vmul.u32 $0x30, v53  }
0x8d: {  	v3 =	vand.u32 $0x7, v3  }
0x8e: {  	v3 =	vor.u32 v3, v4  }
0x8f: {  	v4 =	vperm.xlane v3, v0;
	_ =	sdelay $0x1  }
0x90: {  	v4 =	vadd.s32 v1, v4;
	_ =	sdelay $0x3  }
0x91: {  	s12 =	simm.s32 $0xF400;
	v3 =	vperm.xlane v3, v2  }
0x92: {  	[tilespmem:s12], [sflag:$0x3] =	stream.indirect_vreg.gather [hbm4b:s0+s3], $0x80, v4, vm0, $0xb8;
	[tilespmem:$0x1E400] =	vst v63  }
0x93: {  	s11 =	simm.s32 $0xFC00;
	v3 =	vadd.s32 v1, v3  }
0x94: {  	[tilespmem:s11], [sflag:$0x3] =	stream.indirect_vreg.gather [hbm4b:s5+s3], $0x80, v4, vm0, $0xb8;
	[tilespmem:$0x1E400] =	vst v63  }
0x95: {  	s12 =	simm.s32 $0x10400  }
0x96: {  	[tilespmem:s12], [sflag:$0x3] =	stream.indirect_vreg.gather [hbm4b:s6+s3], $0x80, v4, vm0, $0xb8;
	[tilespmem:$0x1E400] =	vst v63  }
0x97: {  	s11 =	simm.s32 $0x10C00  }
0x98: {  	[tilespmem:s11], [sflag:$0x3] =	stream.indirect_vreg.gather [hbm4b:s0+s3], $0x80, v3, vm0, $0xb8;
	[tilespmem:$0x1E400] =	vst v63  }
0x99: {  	s12 =	simm.s32 $0x11400  }
0x9a: {  	[tilespmem:s12], [sflag:$0x3] =	stream.indirect_vreg.gather [hbm4b:s5+s3], $0x80, v3, vm0, $0xb8;
	[tilespmem:$0x1E400] =	vst v63  }
0x9b: {  	s11 =	simm.s32 $0x11C00  }
0x9c: {  	[tilespmem:s11], [sflag:$0x3] =	stream.indirect_vreg.gather [hbm4b:s6+s3], $0x80, v3, vm0, $0xb8;
	[tilespmem:$0x1E400] =	vst v63  }
0x9d: {  	v3 =	vld [tilespmem:$0x180];
	_ =	sdelay $0x4  }
0x9e: {  	v54 =	vshrl.u32 v3, $0x3  }
0x9f: {  	v4 =	vmul.u32 $0x30, v54  }
0xa0: {  	v3 =	vand.u32 $0x7, v3  }
0xa1: {  	v3 =	vor.u32 v3, v4  }
0xa2: {  	v4 =	vperm.xlane v3, v0;
	_ =	sdelay $0x1  }
0xa3: {  	v4 =	vadd.s32 v1, v4;
	_ =	sdelay $0x3  }
0xa4: {  	s12 =	simm.s32 $0x12400;
	v3 =	vperm.xlane v3, v2  }
0xa5: {  	[tilespmem:s12], [sflag:$0x4] =	stream.indirect_vreg.gather [hbm4b:s0+s3], $0x80, v4, vm0, $0xb8;
	[tilespmem:$0x1E400] =	vst v63  }
0xa6: {  	s11 =	rddreg [dreg:$0xc];
	v3 =	vadd.s32 v1, v3  }
0xa7: {  	[tilespmem:s11], [sflag:$0x4] =	stream.indirect_vreg.gather [hbm4b:s5+s3], $0x80, v4, vm0, $0xb8;
	[tilespmem:$0x1E400] =	vst v63  }
0xa8: {  	s12 =	rddreg [dreg:$0xd]  }
0xa9: {  	[tilespmem:s12], [sflag:$0x4] =	stream.indirect_vreg.gather [hbm4b:s6+s3], $0x80, v4, vm0, $0xb8;
	[tilespmem:$0x1E400] =	vst v63  }
0xaa: {  	s2 =	rddreg [dreg:$0xe]  }
0xab: {  	[tilespmem:s2], [sflag:$0x4] =	stream.indirect_vreg.gather [hbm4b:s0+s3], $0x80, v3, vm0, $0xb8;
	[tilespmem:$0x1E400] =	vst v63  }
0xac: {  	s12 =	rddreg [dreg:$0xf]  }
0xad: {  	[tilespmem:s12], [sflag:$0x4] =	stream.indirect_vreg.gather [hbm4b:s5+s3], $0x80, v3, vm0, $0xb8;
	[tilespmem:$0x1E400] =	vst v63  }
0xae: {  	s2 =	rddreg [dreg:$0x10]  }
0xaf: {  	[tilespmem:s2], [sflag:$0x4] =	stream.indirect_vreg.gather [hbm4b:s6+s3], $0x80, v3, vm0, $0xb8;
	[tilespmem:$0x1E400] =	vst v63  }
0xb0: {  	v3 =	vld [tilespmem:$0x190];
	_ =	sdelay $0x4  }
0xb1: {  	v55 =	vshrl.u32 v3, $0x3  }
0xb2: {  	v4 =	vmul.u32 $0x30, v55  }
0xb3: {  	v3 =	vand.u32 $0x7, v3  }
0xb4: {  	v3 =	vor.u32 v3, v4  }
0xb5: {  	v4 =	vperm.xlane v3, v0;
	_ =	sdelay $0x1  }
0xb6: {  	v4 =	vadd.s32 v1, v4;
	_ =	sdelay $0x3  }
0xb7: {  	s12 =	rddreg [dreg:$0x11];
	v3 =	vperm.xlane v3, v2  }
0xb8: {  	[tilespmem:s12], [sflag:$0x4] =	stream.indirect_vreg.gather [hbm4b:s0+s3], $0x80, v4, vm0, $0xb8;
	[tilespmem:$0x1E400] =	vst v63  }
0xb9: {  	s2 =	rddreg [dreg:$0x12];
	v3 =	vadd.s32 v1, v3  }
0xba: {  	[tilespmem:s2], [sflag:$0x4] =	stream.indirect_vreg.gather [hbm4b:s5+s3], $0x80, v4, vm0, $0xb8;
	[tilespmem:$0x1E400] =	vst v63  }
0xbb: {  	s11 =	rddreg [dreg:$0x13]  }
0xbc: {  	[tilespmem:s11], [sflag:$0x4] =	stream.indirect_vreg.gather [hbm4b:s6+s3], $0x80, v4, vm0, $0xb8;
	[tilespmem:$0x1E400] =	vst v63  }
0xbd: {  	s2 =	rddreg [dreg:$0x14]  }
0xbe: {  	[tilespmem:s2], [sflag:$0x4] =	stream.indirect_vreg.gather [hbm4b:s0+s3], $0x80, v3, vm0, $0xb8;
	[tilespmem:$0x1E400] =	vst v63  }
0xbf: {  	s11 =	rddreg [dreg:$0x15]  }
0xc0: {  	[tilespmem:s11], [sflag:$0x4] =	stream.indirect_vreg.gather [hbm4b:s5+s3], $0x80, v3, vm0, $0xb8;
	[tilespmem:$0x1E400] =	vst v63  }
0xc1: {  	s2 =	rddreg [dreg:$0x16]  }
0xc2: {  	[tilespmem:s2], [sflag:$0x4] =	stream.indirect_vreg.gather [hbm4b:s6+s3], $0x80, v3, vm0, $0xb8;
	[tilespmem:$0x1E400] =	vst v63  }
0xc3: {  	v3 =	vld [tilespmem:$0x200];
	_ =	sdelay $0x4  }
0xc4: {  	v56 =	vshrl.u32 v3, $0x3  }
0xc5: {  	v4 =	vmul.u32 $0x30, v56  }
0xc6: {  	v3 =	vand.u32 $0x7, v3  }
0xc7: {  	v3 =	vor.u32 v3, v4  }
0xc8: {  	v4 =	vperm.xlane v3, v0;
	_ =	sdelay $0x1  }
0xc9: {  	v4 =	vadd.s32 v1, v4;
	_ =	sdelay $0x3  }
0xca: {  	s2 =	simm.s32 $0x18400;
	v3 =	vperm.xlane v3, v2  }
0xcb: {  	[tilespmem:s2], [sflag:$0x5] =	stream.indirect_vreg.gather [hbm4b:s0+s3], $0x80, v4, vm0, $0xb8;
	[tilespmem:$0x1E400] =	vst v63  }
0xcc: {  	s11 =	rddreg [dreg:$0x17];
	v3 =	vadd.s32 v1, v3  }
0xcd: {  	[tilespmem:s11], [sflag:$0x5] =	stream.indirect_vreg.gather [hbm4b:s5+s3], $0x80, v4, vm0, $0xb8;
	[tilespmem:$0x1E400] =	vst v63  }
0xce: {  	s12 =	rddreg [dreg:$0x18]  }
0xcf: {  	[tilespmem:s12], [sflag:$0x5] =	stream.indirect_vreg.gather [hbm4b:s6+s3], $0x80, v4, vm0, $0xb8;
	[tilespmem:$0x1E400] =	vst v63  }
0xd0: {  	s11 =	rddreg [dreg:$0x19]  }
0xd1: {  	[tilespmem:s11], [sflag:$0x5] =	stream.indirect_vreg.gather [hbm4b:s0+s3], $0x80, v3, vm0, $0xb8;
	[tilespmem:$0x1E400] =	vst v63  }
0xd2: {  	s12 =	rddreg [dreg:$0x1a]  }
0xd3: {  	[tilespmem:s12], [sflag:$0x5] =	stream.indirect_vreg.gather [hbm4b:s5+s3], $0x80, v3, vm0, $0xb8;
	[tilespmem:$0x1E400] =	vst v63  }
0xd4: {  	s11 =	rddreg [dreg:$0x1b]  }
0xd5: {  	[tilespmem:s11], [sflag:$0x5] =	stream.indirect_vreg.gather [hbm4b:s6+s3], $0x80, v3, vm0, $0xb8;
	[tilespmem:$0x1E400] =	vst v63  }
0xd6: {  	v3 =	vld [tilespmem:$0x210];
	_ =	sdelay $0x4  }
0xd7: {  	v57 =	vshrl.u32 v3, $0x3  }
0xd8: {  	v4 =	vmul.u32 $0x30, v57  }
0xd9: {  	v3 =	vand.u32 $0x7, v3  }
0xda: {  	v3 =	vor.u32 v3, v4  }
0xdb: {  	v4 =	vperm.xlane v3, v0;
	_ =	sdelay $0x1  }
0xdc: {  	v4 =	vadd.s32 v1, v4;
	_ =	sdelay $0x2  }
0xdd: {  	s12 =	rddreg [dreg:$0x1d]  }
0xde: {  	s11 =	rddreg [dreg:$0x1c];
	v3 =	vperm.xlane v3, v2  }
0xdf: {  	[tilespmem:s11], [sflag:$0x5] =	stream.indirect_vreg.gather [hbm4b:s0+s3], $0x80, v4, vm0, $0xb8;
	[tilespmem:$0x1E400] =	vst v63  }
0xe0: {  	v3 =	vadd.s32 v1, v3;
	s11 =	rddreg [dreg:$0x1e]  }
0xe1: {  	[tilespmem:s12], [sflag:$0x5] =	stream.indirect_vreg.gather [hbm4b:s5+s3], $0x80, v4, vm0, $0xb8;
	[tilespmem:$0x1E400] =	vst v63  }
0xe2: {  	s12 =	rddreg [dreg:$0x1f]  }
0xe3: {  	[tilespmem:s11], [sflag:$0x5] =	stream.indirect_vreg.gather [hbm4b:s6+s3], $0x80, v4, vm0, $0xb8;
	[tilespmem:$0x1E400] =	vst v63  }
0xe4: {  	s11 =	sld [smem:$0x7FC]  }
0xe5: {  	[tilespmem:s12], [sflag:$0x5] =	stream.indirect_vreg.gather [hbm4b:s0+s3], $0x80, v3, vm0, $0xb8;
	[tilespmem:$0x1E400] =	vst v63  }
0xe6: {  	s12 =	sld [smem:$0x7FD]  }
0xe7: {  	[tilespmem:s11], [sflag:$0x5] =	stream.indirect_vreg.gather [hbm4b:s5+s3], $0x80, v3, vm0, $0xb8;
	[tilespmem:$0x1E400] =	vst v63  }
0xe8: {  	_ = 	snop  }
0xe9: {  	[tilespmem:s12], [sflag:$0x5] =	stream.indirect_vreg.gather [hbm4b:s6+s3], $0x80, v3, vm0, $0xb8;
	[tilespmem:$0x1E400] =	vst v63  }
0xea: {  	_ =	swait.ge [sflag:s24], $0x6000  }
0xeb: {  	s12 =	sld [smem:$0x7FB]  }
0xec: {  	[sflag:s24] =	ssyncset.done $0x0  }
0xed: {  	[sflag:s24] =	ssyncadd.s32 $0xFFFFA000  }
0xee: {  	[hbm4b:s12+s3] =	stream.linear.scatter [tilespmem:s21], [sflag:$0x6], $0x6000, $0x38;
	[tilespmem:$0x1E400] =	vst v63  }
0xef: {  	_ =	swait.ge [sflag:s25], $0x6000  }
0xf0: {  	[sflag:s25] =	ssyncset.done $0x0  }
0xf1: {  	[sflag:s25] =	ssyncadd.s32 $0xFFFFA000  }
0xf2: {  	v3 =	vld [tilespmem:$0x280];
	_ =	sdelay $0x4  }
0xf3: {  	v58 =	vshrl.u32 v3, $0x3  }
0xf4: {  	v4 =	vmul.u32 $0x30, v58  }
0xf5: {  	v3 =	vand.u32 $0x7, v3  }
0xf6: {  	v3 =	vor.u32 v3, v4  }
0xf7: {  	v4 =	vperm.xlane v3, v0;
	_ =	sdelay $0x1  }
0xf8: {  	v4 =	vadd.s32 v1, v4;
	_ =	sdelay $0x3  }
0xf9: {  	v3 =	vperm.xlane v3, v2  }
0xfa: {  	[tilespmem:s21], [sflag:$0x1] =	stream.indirect_vreg.gather [hbm4b:s0+s3], $0x80, v4, vm0, $0xb8;
	[tilespmem:$0x1E400] =	vst v63  }
0xfb: {  	v3 =	vadd.s32 v1, v3  }
0xfc: {  	[tilespmem:s13], [sflag:$0x1] =	stream.indirect_vreg.gather [hbm4b:s5+s3], $0x80, v4, vm0, $0xb8;
	[tilespmem:$0x1E400] =	vst v63  }
0xfd: {  	_ = 	snop  }
0xfe: {  	[tilespmem:s14], [sflag:$0x1] =	stream.indirect_vreg.gather [hbm4b:s6+s3], $0x80, v4, vm0, $0xb8;
	[tilespmem:$0x1E400] =	vst v63  }
0xff: {  	_ = 	snop  }
0x100: {  	[tilespmem:s15], [sflag:$0x1] =	stream.indirect_vreg.gather [hbm4b:s0+s3], $0x80, v3, vm0, $0xb8;
	[tilespmem:$0x1E400] =	vst v63  }
0x101: {  	_ = 	snop  }
0x102: {  	[tilespmem:s16], [sflag:$0x1] =	stream.indirect_vreg.gather [hbm4b:s5+s3], $0x80, v3, vm0, $0xb8;
	[tilespmem:$0x1E400] =	vst v63  }
0x103: {  	_ = 	snop  }
0x104: {  	[tilespmem:s17], [sflag:$0x1] =	stream.indirect_vreg.gather [hbm4b:s6+s3], $0x80, v3, vm0, $0xb8;
	[tilespmem:$0x1E400] =	vst v63  }
0x105: {  	v3 =	vld [tilespmem:$0x290];
	_ =	sdelay $0x4  }
0x106: {  	v59 =	vshrl.u32 v3, $0x3  }
0x107: {  	v4 =	vmul.u32 $0x30, v59  }
0x108: {  	v3 =	vand.u32 $0x7, v3  }
0x109: {  	v3 =	vor.u32 v3, v4  }
0x10a: {  	v4 =	vperm.xlane v3, v0;
	_ =	sdelay $0x1  }
0x10b: {  	v4 =	vadd.s32 v1, v4;
	_ =	sdelay $0x3  }
0x10c: {  	v3 =	vperm.xlane v3, v2  }
0x10d: {  	[tilespmem:s18], [sflag:$0x1] =	stream.indirect_vreg.gather [hbm4b:s0+s3], $0x80, v4, vm0, $0xb8;
	[tilespmem:$0x1E400] =	vst v63  }
0x10e: {  	v3 =	vadd.s32 v1, v3  }
0x10f: {  	[tilespmem:s19], [sflag:$0x1] =	stream.indirect_vreg.gather [hbm4b:s5+s3], $0x80, v4, vm0, $0xb8;
	[tilespmem:$0x1E400] =	vst v63  }
0x110: {  	_ = 	snop  }
0x111: {  	[tilespmem:s20], [sflag:$0x1] =	stream.indirect_vreg.gather [hbm4b:s6+s3], $0x80, v4, vm0, $0xb8;
	[tilespmem:$0x1E400] =	vst v63  }
0x112: {  	_ = 	snop  }
0x113: {  	[tilespmem:s22], [sflag:$0x1] =	stream.indirect_vreg.gather [hbm4b:s0+s3], $0x80, v3, vm0, $0xb8;
	[tilespmem:$0x1E400] =	vst v63  }
0x114: {  	_ = 	snop  }
0x115: {  	[tilespmem:s23], [sflag:$0x1] =	stream.indirect_vreg.gather [hbm4b:s5+s3], $0x80, v3, vm0, $0xb8;
	[tilespmem:$0x1E400] =	vst v63  }
0x116: {  	_ = 	snop  }
0x117: {  	[tilespmem:s8], [sflag:$0x1] =	stream.indirect_vreg.gather [hbm4b:s6+s3], $0x80, v3, vm0, $0xb8;
	[tilespmem:$0x1E400] =	vst v63  }
0x118: {  	_ =	swait.ge [sflag:s26], $0x6000  }
0x119: {  	[sflag:s26] =	ssyncset.done $0x0  }
0x11a: {  	s8 =	rddreg [dreg:$0x5];
	[sflag:s26] =	ssyncadd.s32 $0xFFFFA000  }
0x11b: {  	[hbm4b:s8+s3] =	stream.linear.scatter [tilespmem:s4], [sflag:$0x7], $0x6000, $0x38;
	[tilespmem:$0x1E400] =	vst v63  }
0x11c: {  	_ =	swait.ge [sflag:s28], $0x6000  }
0x11d: {  	[sflag:s28] =	ssyncset.done $0x0  }
0x11e: {  	[sflag:s28] =	ssyncadd.s32 $0xFFFFA000  }
0x11f: {  	v3 =	vld [tilespmem:$0x300];
	_ =	sdelay $0x4  }
0x120: {  	v60 =	vshrl.u32 v3, $0x3  }
0x121: {  	v4 =	vmul.u32 $0x30, v60  }
0x122: {  	v3 =	vand.u32 $0x7, v3  }
0x123: {  	v3 =	vor.u32 v3, v4  }
0x124: {  	v4 =	vperm.xlane v3, v0;
	_ =	sdelay $0x1  }
0x125: {  	v4 =	vadd.s32 v1, v4;
	_ =	sdelay $0x3  }
0x126: {  	v3 =	vperm.xlane v3, v2  }
0x127: {  	[tilespmem:s4], [sflag:$0x2] =	stream.indirect_vreg.gather [hbm4b:s0+s3], $0x80, v4, vm0, $0xb8;
	[tilespmem:$0x1E400] =	vst v63  }
0x128: {  	v3 =	vadd.s32 v1, v3  }
0x129: {  	[tilespmem:s31], [sflag:$0x2] =	stream.indirect_vreg.gather [hbm4b:s5+s3], $0x80, v4, vm0, $0xb8;
	[tilespmem:$0x1E400] =	vst v63  }
0x12a: {  	s11 =	simm.s32 $0x7400  }
0x12b: {  	[tilespmem:s11], [sflag:$0x2] =	stream.indirect_vreg.gather [hbm4b:s6+s3], $0x80, v4, vm0, $0xb8;
	[tilespmem:$0x1E400] =	vst v63  }
0x12c: {  	s12 =	simm.s32 $0x7C00  }
0x12d: {  	[tilespmem:s12], [sflag:$0x2] =	stream.indirect_vreg.gather [hbm4b:s0+s3], $0x80, v3, vm0, $0xb8;
	[tilespmem:$0x1E400] =	vst v63  }
0x12e: {  	_ = 	snop  }
0x12f: {  	[tilespmem:s10], [sflag:$0x2] =	stream.indirect_vreg.gather [hbm4b:s5+s3], $0x80, v3, vm0, $0xb8;
	[tilespmem:$0x1E400] =	vst v63  }
0x130: {  	_ = 	snop  }
0x131: {  	[tilespmem:s9], [sflag:$0x2] =	stream.indirect_vreg.gather [hbm4b:s6+s3], $0x80, v3, vm0, $0xb8;
	[tilespmem:$0x1E400] =	vst v63  }
0x132: {  	v3 =	vld [tilespmem:$0x310];
	_ =	sdelay $0x4  }
0x133: {  	v61 =	vshrl.u32 v3, $0x3  }
0x134: {  	v4 =	vmul.u32 $0x30, v61  }
0x135: {  	v3 =	vand.u32 $0x7, v3  }
0x136: {  	v3 =	vor.u32 v3, v4  }
0x137: {  	v4 =	vperm.xlane v3, v0;
	_ =	sdelay $0x1  }
0x138: {  	v4 =	vadd.s32 v1, v4;
	_ =	sdelay $0x3  }
0x139: {  	s11 =	simm.s32 $0x9400;
	v3 =	vperm.xlane v3, v2  }
0x13a: {  	[tilespmem:s11], [sflag:$0x2] =	stream.indirect_vreg.gather [hbm4b:s0+s3], $0x80, v4, vm0, $0xb8;
	[tilespmem:$0x1E400] =	vst v63  }
0x13b: {  	s12 =	simm.s32 $0x9C00;
	v3 =	vadd.s32 v1, v3  }
0x13c: {  	[tilespmem:s12], [sflag:$0x2] =	stream.indirect_vreg.gather [hbm4b:s5+s3], $0x80, v4, vm0, $0xb8;
	[tilespmem:$0x1E400] =	vst v63  }
0x13d: {  	s11 =	simm.s32 $0xA400  }
0x13e: {  	[tilespmem:s11], [sflag:$0x2] =	stream.indirect_vreg.gather [hbm4b:s6+s3], $0x80, v4, vm0, $0xb8;
	[tilespmem:$0x1E400] =	vst v63  }
0x13f: {  	s12 =	simm.s32 $0xAC00  }
0x140: {  	[tilespmem:s12], [sflag:$0x2] =	stream.indirect_vreg.gather [hbm4b:s0+s3], $0x80, v3, vm0, $0xb8;
	[tilespmem:$0x1E400] =	vst v63  }
0x141: {  	s11 =	simm.s32 $0xB400  }
0x142: {  	[tilespmem:s11], [sflag:$0x2] =	stream.indirect_vreg.gather [hbm4b:s5+s3], $0x80, v3, vm0, $0xb8;
	[tilespmem:$0x1E400] =	vst v63  }
0x143: {  	s12 =	simm.s32 $0xBC00  }
0x144: {  	[tilespmem:s12], [sflag:$0x2] =	stream.indirect_vreg.gather [hbm4b:s6+s3], $0x80, v3, vm0, $0xb8;
	[tilespmem:$0x1E400] =	vst v63  }
0x145: {  	_ =	swait.ge [sflag:s29], $0x6000  }
0x146: {  	[sflag:s29] =	ssyncset.done $0x0  }
0x147: {  	s8 =	rddreg [dreg:$0x6];
	[sflag:s29] =	ssyncadd.s32 $0xFFFFA000  }
0x148: {  	[hbm4b:s8+s3] =	stream.linear.scatter [tilespmem:s1], [sflag:$0x8], $0x6000, $0x38;
	[tilespmem:$0x1E400] =	vst v63  }
0x149: {  	_ =	swait.ge [sflag:s30], $0x6000  }
0x14a: {  	[sflag:s30] =	ssyncset.done $0x0  }
0x14b: {  	[sflag:s30] =	ssyncadd.s32 $0xFFFFA000  }
0x14c: {  	v3 =	vld [tilespmem:$0x380];
	_ =	sdelay $0x4  }
0x14d: {  	v62 =	vshrl.u32 v3, $0x3  }
0x14e: {  	v4 =	vmul.u32 $0x30, v62  }
0x14f: {  	v3 =	vand.u32 $0x7, v3  }
0x150: {  	v3 =	vor.u32 v3, v4  }
0x151: {  	v4 =	vperm.xlane v3, v0;
	_ =	sdelay $0x1  }
0x152: {  	v4 =	vadd.s32 v1, v4;
	_ =	sdelay $0x3  }
0x153: {  	v3 =	vperm.xlane v3, v2  }
0x154: {  	[tilespmem:s1], [sflag:$0x3] =	stream.indirect_vreg.gather [hbm4b:s0+s3], $0x80, v4, vm0, $0xb8;
	[tilespmem:$0x1E400] =	vst v63  }
0x155: {  	s11 =	simm.s32 $0xCC00;
	v3 =	vadd.s32 v1, v3  }
0x156: {  	[tilespmem:s11], [sflag:$0x3] =	stream.indirect_vreg.gather [hbm4b:s5+s3], $0x80, v4, vm0, $0xb8;
	[tilespmem:$0x1E400] =	vst v63  }
0x157: {  	s12 =	simm.s32 $0xD400  }
0x158: {  	[tilespmem:s12], [sflag:$0x3] =	stream.indirect_vreg.gather [hbm4b:s6+s3], $0x80, v4, vm0, $0xb8;
	[tilespmem:$0x1E400] =	vst v63  }
0x159: {  	s11 =	simm.s32 $0xDC00  }
0x15a: {  	[tilespmem:s11], [sflag:$0x3] =	stream.indirect_vreg.gather [hbm4b:s0+s3], $0x80, v3, vm0, $0xb8;
	[tilespmem:$0x1E400] =	vst v63  }
0x15b: {  	s12 =	simm.s32 $0xE400  }
0x15c: {  	[tilespmem:s12], [sflag:$0x3] =	stream.indirect_vreg.gather [hbm4b:s5+s3], $0x80, v3, vm0, $0xb8;
	[tilespmem:$0x1E400] =	vst v63  }
0x15d: {  	s11 =	simm.s32 $0xEC00  }
0x15e: {  	[tilespmem:s11], [sflag:$0x3] =	stream.indirect_vreg.gather [hbm4b:s6+s3], $0x80, v3, vm0, $0xb8;
	[tilespmem:$0x1E400] =	vst v63  }
0x15f: {  	v3 =	vld [tilespmem:$0x390];
	_ =	sdelay $0x4  }
0x160: {  	v63 =	vshrl.u32 v3, $0x3  }
0x161: {  	v4 =	vmul.u32 $0x30, v63  }
0x162: {  	v3 =	vand.u32 $0x7, v3  }
0x163: {  	v3 =	vor.u32 v3, v4  }
0x164: {  	v4 =	vperm.xlane v3, v0;
	_ =	sdelay $0x1  }
0x165: {  	v4 =	vadd.s32 v1, v4;
	_ =	sdelay $0x3  }
0x166: {  	s12 =	simm.s32 $0xF400;
	v3 =	vperm.xlane v3, v2  }
0x167: {  	[tilespmem:s12], [sflag:$0x3] =	stream.indirect_vreg.gather [hbm4b:s0+s3], $0x80, v4, vm0, $0xb8;
	[tilespmem:$0x1E400] =	vst v63  }
0x168: {  	s11 =	simm.s32 $0xFC00;
	v3 =	vadd.s32 v1, v3  }
0x169: {  	[tilespmem:s11], [sflag:$0x3] =	stream.indirect_vreg.gather [hbm4b:s5+s3], $0x80, v4, vm0, $0xb8;
	[tilespmem:$0x1E400] =	vst v63  }
0x16a: {  	s12 =	simm.s32 $0x10400  }
0x16b: {  	[tilespmem:s12], [sflag:$0x3] =	stream.indirect_vreg.gather [hbm4b:s6+s3], $0x80, v4, vm0, $0xb8;
	[tilespmem:$0x1E400] =	vst v63  }
0x16c: {  	s11 =	simm.s32 $0x10C00  }
0x16d: {  	[tilespmem:s11], [sflag:$0x3] =	stream.indirect_vreg.gather [hbm4b:s0+s3], $0x80, v3, vm0, $0xb8;
	[tilespmem:$0x1E400] =	vst v63  }
0x16e: {  	s12 =	simm.s32 $0x11400  }
0x16f: {  	[tilespmem:s12], [sflag:$0x3] =	stream.indirect_vreg.gather [hbm4b:s5+s3], $0x80, v3, vm0, $0xb8;
	[tilespmem:$0x1E400] =	vst v63  }
0x170: {  	s11 =	simm.s32 $0x11C00;
	s12 =	simm.s32 $0x4  }
0x171: {  	[tilespmem:s11], [sflag:$0x3] =	stream.indirect_vreg.gather [hbm4b:s6+s3], $0x80, v3, vm0, $0xb8;
	[tilespmem:$0x1E400] =	vst v63  }
0x172: {  	_ =	swait.ge [sflag:s12], $0x6000  }
0x173: {  	[sflag:s12] =	ssyncset.done $0x0  }
0x174: {  	s11 =	rddreg [dreg:$0x7];
	[sflag:s12] =	ssyncadd.s32 $0xFFFFA000;
	s12 =	simm.s32 $0x12400  }
0x175: {  	[hbm4b:s11+s3] =	stream.linear.scatter [tilespmem:s12], [sflag:$0x9], $0x6000, $0x38;
	[tilespmem:$0x1E400] =	vst v63  }
0x176: {  	s11 =	simm.s32 $0x5  }
0x177: {  	_ =	swait.ge [sflag:s11], $0x6000  }
0x178: {  	[sflag:s11] =	ssyncset.done $0x0  }
0x179: {  	s12 =	rddreg [dreg:$0x8];
	[sflag:s11] =	ssyncadd.s32 $0xFFFFA000  }
0x17a: {  	[hbm4b:s12+s3] =	stream.linear.scatter [tilespmem:s2], [sflag:$0xA], $0x6000, $0x38;
	[tilespmem:$0x1E400] =	vst v63  }
0x17b: {  	_ =	swait.ge [sflag:s24], $0x6000  }
0x17c: {  	[sflag:s24] =	ssyncset.done $0x0  }
0x17d: {  	s12 =	rddreg [dreg:$0x9];
	[sflag:s24] =	ssyncadd.s32 $0xFFFFA000  }
0x17e: {  	[hbm4b:s12+s3] =	stream.linear.scatter [tilespmem:s21], [sflag:$0x6], $0x6000, $0x38;
	[tilespmem:$0x1E400] =	vst v63  }
0x17f: {  	_ =	swait.ge [sflag:s26], $0x6000  }
0x180: {  	[sflag:s26] =	ssyncset.done $0x0  }
0x181: {  	s2 =	rddreg [dreg:$0xa];
	[sflag:s26] =	ssyncadd.s32 $0xFFFFA000  }
0x182: {  	[hbm4b:s2+s3] =	stream.linear.scatter [tilespmem:s4], [sflag:$0x7], $0x6000, $0x38;
	[tilespmem:$0x1E400] =	vst v63  }
0x183: {  	_ =	swait.ge [sflag:s29], $0x6000  }
0x184: {  	[sflag:s29] =	ssyncset.done $0x0  }
0x185: {  	s11 =	simm.s32 $0x9;
	s8 =	rddreg [dreg:$0xb];
	[sflag:s29] =	ssyncadd.s32 $0xFFFFA000  }
0x186: {  	[hbm4b:s8+s3] =	stream.linear.scatter [tilespmem:s1], [sflag:$0x8], $0x6000, $0x38;
	[tilespmem:$0x1E400] =	vst v63  }
0x187: {  	_ =	swait.ge [sflag:s11], $0x6000  }
0x188: {  	[sflag:s11] =	ssyncset.done $0x0  }
0x189: {  	s12 =	simm.s32 $0xA;
	[sflag:s11] =	ssyncadd.s32 $0xFFFFA000  }
0x18a: {  	_ =	swait.ge [sflag:s12], $0x6000  }
0x18b: {  	[sflag:s12] =	ssyncset.done $0x0  }
0x18c: {  	[sflag:s12] =	ssyncadd.s32 $0xFFFFA000  }
0x18d: {  	_ =	swait.ge [sflag:s25], $0x6000  }
0x18e: {  	[sflag:s25] =	ssyncset.done $0x0  }
0x18f: {  	[sflag:s25] =	ssyncadd.s32 $0xFFFFA000  }
0x190: {  	p0 =	sne.s32 s7, $0x1;
	_ =	swait.ge [sflag:s28], $0x6000  }
.Ltmp0:
0x191: {  	[sflag:s28] =	ssyncset.done $0x0;
	(pc) =	sbr.rel @p0 .LBB2_1-.Ltmp0, $4  }
0x192: {  	[sflag:s28] =	ssyncadd.s32 $0xFFFFA000  }
0x193: {  	_ =	swait.ge [sflag:s30], $0x6000  }
0x194: {  	[sflag:s30] =	ssyncset.done $0x0  }
0x195: {  	s7 =	sadd.s32 $0xFFFFFFFF, s7;
	[sflag:s30] =	ssyncadd.s32 $0xFFFFA000  }
0x196: {  	_ =	sfence.sel $0x180000  }
0x197: {  	[bflag:$0x0] =	sbarrier.arrive $0xFFFF  }
0x198: {  	_ =	strace $0x90000047  }
0x199: {  	s0 =	stileid.u32;
	[bflag:$0x2] =	sbarrier.arrive $0xFFFF  }
0x19a: {  	p0 =	sne.s32 s0, $0x0;
	s0 =	rddreg [dreg:$0x3]  }
0x19b: {  	s0 =	sadd.s32 @!p0 $0x100000, s0  }
0x19c: {  	[sflag:s0] =	ssyncadd.tile.s32 @!p0 $0x1;
	_ =	shalt  }
.Lfunc_end2:
_tile_overlayer_lowered:
.L_overlay_start_2:
0x19d: {  	(tag) =	ssettag $0x2  }
0x19e: {  	s0 =	rddreg [dreg:$0x0];
	s2 =	stileid.u32  }
0x19f: {  	s1 =	rddreg [dreg:$0x1];
	p0 =	sne.s32 s2, $0x0  }
0x1a0: {  	s3 =	rddreg [dreg:$0x2];
	[bflag:$0x3] =	sbarrier.arrive $0xFFFF;
	s2 =	simm.s32 @!p0 $0x1C0B  }
0x1a1: {  	[timem:s3], [sflag:s2] =	dma.local @!p0 [hbm:s0], s1  }
0x1a2: {  	s0 =	simm.s32 @!p0 $0xB  }
0x1a3: {  	_ =	swait.ge @!p0 [sflag:s0], s1  }
0x1a4: {  	s1 =	ssub.s32 @!p0 $0x0, s1;
	[sflag:s0] =	ssyncset.done @!p0 $0x0  }
0x1a5: {  	[sflag:s0] =	ssyncadd.s32 @!p0 s1  }
0x1a6: {  	[bflag:$0x3] =	sbarrier.arrive $0xFFFF  }
0x1a7: {  	_ =	shalt  }

</sc_bundles>
